<compile_context>
chip_gen: v7x
topology: tpu7x:2x2x1
jax: 0.10.2.dev20260603
libtpu: 0.0.44.dev20260713+nightly
codegen_flags: <defaults>
</compile_context>

<pallas_src>
import functools

import jax
import jax.numpy as jnp
from jax import lax
from jax.experimental import pallas as pl
from jax.experimental.pallas import tpu as pltpu
from jax.experimental.pallas import tpu_sc as plsc

NUM_EXPERTS = 8
T = 2048
D_IN = 768
D_HID = 1024
D_OUT = 768

BLK = 256
NB = T // BLK
NT = NB + NUM_EXPERTS - 1
NSLOT = 4
NLOOK = 3


def _routing_metadata(indices_s):
    idx = indices_s.astype(jnp.int32)
    oh = (idx[:, None] == jnp.arange(NUM_EXPERTS, dtype=jnp.int32)[None, :]
          ).astype(jnp.int32)
    ch = oh.reshape(T // 128, 128, NUM_EXPERTS)
    r = jax.lax.broadcasted_iota(jnp.int32, (128, 128), 0)
    c = jax.lax.broadcasted_iota(jnp.int32, (128, 128), 1)
    tri = (r >= c).astype(jnp.float32)
    within_ch = jnp.einsum("rc,kce->kre", tri, ch.astype(jnp.float32),
                           preferred_element_type=jnp.float32)
    chunk_tot = jnp.sum(ch, axis=1)
    chunk_pre = jnp.concatenate(
        [jnp.zeros((1, NUM_EXPERTS), jnp.int32),
         jnp.cumsum(chunk_tot[:-1], axis=0).astype(jnp.int32)])
    within = (within_ch.astype(jnp.int32)
              + chunk_pre[:, None, :]).reshape(T, NUM_EXPERTS)
    counts = jnp.sum(chunk_tot, axis=0)
    offsets = jnp.concatenate(
        [jnp.zeros((1,), jnp.int32), jnp.cumsum(counts).astype(jnp.int32)])
    inv = jnp.sum(oh * (within - 1 + offsets[:-1][None, :]), axis=1)

    cuts = jnp.sort(jnp.concatenate(
        [jnp.arange(NB, dtype=jnp.int32) * BLK, offsets[1:NUM_EXPERTS]]))
    next_cuts = jnp.concatenate([cuts[1:], jnp.array([T], jnp.int32)])
    block_id = jnp.minimum(cuts // BLK, NB - 1)
    expert_id = jnp.sum(
        (cuts[:, None] >= offsets[None, 1:NUM_EXPERTS]).astype(jnp.int32),
        axis=1)
    row_start = cuts - block_id * BLK
    row_end = next_cuts - block_id * BLK
    first = jnp.concatenate(
        [jnp.ones((1,), jnp.int32),
         (block_id[1:] != block_id[:-1]).astype(jnp.int32)])

    run_start = jnp.concatenate(
        [jnp.ones((1,), jnp.int32),
         (expert_id[1:] != expert_id[:-1]).astype(jnp.int32)])
    run_id = jnp.cumsum(run_start).astype(jnp.int32) - 1
    num_runs = run_id[-1] + 1
    expert_of_run = jnp.zeros((NT,), jnp.int32).at[run_id].set(expert_id)
    pf_run = run_id + NLOOK
    pf_valid = (pf_run < num_runs).astype(jnp.int32)
    pf_expert = expert_of_run[jnp.minimum(pf_run, NT - 1)]
    slot = run_id % NSLOT
    pf_slot = pf_run % NSLOT
    num_runs_arr = jnp.full((1,), num_runs, jnp.int32)
    return (inv, block_id, expert_id, row_start, row_end, first,
            run_start, slot, pf_slot, pf_expert, pf_valid,
            expert_of_run, num_runs_arr)


@functools.lru_cache(maxsize=None)
def _make_sc_permute(n_rows, n_cols, scatter):
    info = plsc.get_sparse_core_info()
    nw = info.num_cores * info.num_subcores
    b_per_w = n_rows // nw
    mesh = plsc.VectorSubcoreMesh(core_axis_name="c", subcore_axis_name="s")

    @functools.partial(
        pl.kernel, mesh=mesh,
        out_type=jax.ShapeDtypeStruct((n_rows, n_cols), jnp.float32),
        scratch_types=[
            pltpu.VMEM((b_per_w,), jnp.int32),
            pltpu.VMEM((b_per_w, n_cols), jnp.float32),
            pltpu.SemaphoreType.DMA,
        ],
        compiler_params=pltpu.CompilerParams(use_tc_tiling_on_sc=True),
    )
    def permute(table_hbm, idx_hbm, out_hbm, idx_v, rows_v, sem):
        wid = lax.axis_index("s") * info.num_cores + lax.axis_index("c")
        base = wid * b_per_w
        pltpu.sync_copy(idx_hbm.at[pl.ds(base, b_per_w)], idx_v)
        if scatter:
            pltpu.sync_copy(table_hbm.at[pl.ds(base, b_per_w)], rows_v)
            pltpu.async_copy(rows_v, out_hbm.at[idx_v], sem).wait()
        else:
            pltpu.async_copy(table_hbm.at[idx_v], rows_v, sem).wait()
            pltpu.sync_copy(rows_v, out_hbm.at[pl.ds(base, b_per_w)])

    return permute


def _ffn_tile_body(bid_ref, eid_ref, rs_ref, re_ref, fr_ref,
                   rst_ref, slot_ref, pfs_ref, pfe_ref, pfv_ref,
                   eor_ref, nrun_ref,
                   xs_ref, w1_any, w2_any, b1_ref, b2_ref, out_ref,
                   w1buf, w2buf, sem1, sem2):
    i = pl.program_id(0)
    s = slot_ref[i]

    def _issue(e, sl):
        pltpu.make_async_copy(w1_any.at[e], w1buf.at[sl], sem1.at[sl]).start()
        pltpu.make_async_copy(w2_any.at[e], w2buf.at[sl], sem2.at[sl]).start()

    @pl.when(i == 0)
    def _prologue():
        _issue(eor_ref[0], 0)
        for r in range(1, NLOOK):
            @pl.when(nrun_ref[0] > r)
            def _():
                _issue(eor_ref[r], r % NSLOT)

    @pl.when(rst_ref[i] == 1)
    def _run_start():
        @pl.when(pfv_ref[i] == 1)
        def _():
            _issue(pfe_ref[i], pfs_ref[i])
        pltpu.make_async_copy(w1_any.at[0], w1buf.at[s], sem1.at[s]).wait()
        pltpu.make_async_copy(w2_any.at[0], w2buf.at[s], sem2.at[s]).wait()

    x = xs_ref[...].astype(jnp.bfloat16)
    h = jnp.dot(x, w1buf[s].astype(jnp.bfloat16),
                preferred_element_type=jnp.float32)
    h = h + b1_ref[0]
    h = 0.5 * h * (1.0 + lax.erf(h * 0.7071067811865476))
    o = jnp.dot(h.astype(jnp.bfloat16), w2buf[s].astype(jnp.bfloat16),
                preferred_element_type=jnp.float32)
    o = o + b2_ref[0]
    rows = lax.broadcasted_iota(jnp.int32, (BLK, 1), 0)
    mask = (rows >= rs_ref[i]) & (rows < re_ref[i])
    contrib = jnp.where(mask, o, 0.0)

    @pl.when(fr_ref[i] == 1)
    def _():
        out_ref[...] = contrib

    @pl.when(fr_ref[i] == 0)
    def _():
        out_ref[...] = out_ref[...] + contrib


def _grouped_ffn(xs, weight1, weight2, bias1, bias2, meta):
    (block_id, expert_id, row_start, row_end, first,
     run_start, slot, pf_slot, pf_expert, pf_valid,
     expert_of_run, num_runs_arr) = meta
    grid_spec = pltpu.PrefetchScalarGridSpec(
        num_scalar_prefetch=12,
        grid=(NT,),
        in_specs=[
            pl.BlockSpec((BLK, D_IN),
                         lambda i, bid, *_: (bid[i], 0)),
            pl.BlockSpec(memory_space=pltpu.MemorySpace.HBM),
            pl.BlockSpec(memory_space=pltpu.MemorySpace.HBM),
            pl.BlockSpec((1, 1, D_HID),
                         lambda i, bid, eid, *_: (eid[i], 0, 0)),
            pl.BlockSpec((1, 1, D_OUT),
                         lambda i, bid, eid, *_: (eid[i], 0, 0)),
        ],
        out_specs=pl.BlockSpec((BLK, D_OUT),
                               lambda i, bid, *_: (bid[i], 0)),
        scratch_shapes=[
            pltpu.VMEM((NSLOT, D_IN, D_HID), jnp.float32),
            pltpu.VMEM((NSLOT, D_HID, D_OUT), jnp.float32),
            pltpu.SemaphoreType.DMA((NSLOT,)),
            pltpu.SemaphoreType.DMA((NSLOT,)),
        ],
    )
    return pl.pallas_call(
        _ffn_tile_body,
        grid_spec=grid_spec,
        out_shape=jax.ShapeDtypeStruct((T, D_OUT), jnp.float32),
        compiler_params=pltpu.CompilerParams(
            dimension_semantics=("arbitrary",)),
    )(block_id, expert_id, row_start, row_end, first,
      run_start, slot, pf_slot, pf_expert, pf_valid,
      expert_of_run, num_runs_arr,
      xs, weight1, weight2,
      bias1.reshape(NUM_EXPERTS, 1, D_HID),
      bias2.reshape(NUM_EXPERTS, 1, D_OUT))


def kernel(x, indices_s, weight1, weight2, bias1, bias2):
    inv, *meta = _routing_metadata(indices_s)
    xs = _make_sc_permute(T, D_IN, True)(x, inv)
    out_sorted = _grouped_ffn(xs, weight1, weight2, bias1, bias2, meta)
    out = _make_sc_permute(T, D_OUT, False)(out_sorted, inv)
    return out[:, None, :]

# --- scband reference (transcript-rebuilt; emitter-appended) ---
"""Pipeline reference for scband-mo-eruntime-experts-1967095021950 (READ-ONLY COPY).

The authoritative reference and input builder live on the scoring server;
editing this copy changes nothing except your own understanding.
"""

import jax, jax.numpy as jnp
import numpy as np

NUM_EXPERTS = 8
T = 2048
D_IN = 768
D_HID = 1024
D_OUT = 768


def setup_inputs(seed: int = 0) -> dict:
    key = jax.random.key(seed)
    k1, k2, k3, k4, k5, k6 = jax.random.split(key, 6)
    x = jax.random.normal(k1, (T, D_IN), dtype=jnp.float32)
    indices_s = jax.random.randint(k2, (T,), 0, NUM_EXPERTS).astype(jnp.int64)
    # Parameters initialized with uniform [0,1) to mirror torch.rand in __init__
    weight1 = jax.random.uniform(k3, (NUM_EXPERTS, D_IN, D_HID), dtype=jnp.float32)
    weight2 = jax.random.uniform(k4, (NUM_EXPERTS, D_HID, D_OUT), dtype=jnp.float32)
    bias1 = jax.random.uniform(k5, (NUM_EXPERTS, D_HID), dtype=jnp.float32)
    bias2 = jax.random.uniform(k6, (NUM_EXPERTS, D_IN), dtype=jnp.float32)
    return {"x": x, "indices_s": indices_s, "weight1": weight1,
            "weight2": weight2, "bias1": bias1, "bias2": bias2}


def _expert_bmm(x, w, one_hot):
    # Mathematically identical to torch.bmm(x.unsqueeze(1), w[indices_s]).squeeze(1):
    # for token t with expert e_t, out[t] = x[t] @ w[e_t].
    # Implemented as dense per-expert matmul + one-hot select (canonical TPU MoE form,
    # avoids materializing the T x d x h gathered weight tensor).
    y = jnp.einsum('td,edh->teh', x, w)
    return jnp.einsum('te,teh->th', one_hot, y)


def reference(x, indices_s, weight1, weight2, bias1, bias2):
    oh = jax.nn.one_hot(indices_s, weight1.shape[0], dtype=x.dtype)
    h = _expert_bmm(x, weight1, oh)
    h = h + jnp.take(bias1, indices_s, axis=0)
    h = jax.nn.gelu(h, approximate=False)  # torch nn.GELU default = exact erf
    out = _expert_bmm(h, weight2, oh)
    out = out + jnp.take(bias2, indices_s, axis=0)
    # torch forward keeps the unsqueezed middle dim: [T, 1, out_features]
    return out[:, None, :]

if __name__ == "__main__":
    import jax
    _d = setup_inputs()
    print(jax.jit(kernel)(*tuple(_d.values())))

</pallas_src>

<mosaic_0001>
#map = affine_map<(d0, d1) -> (0, 0)>
#map1 = affine_map<(d0, d1) -> (0)>
module attributes {stable_mosaic.version = 14 : i64} {
  func.func @permute(%arg0: i32, %arg1: i32, %arg2: memref<2048x768xf32, #tpu.memory_space<hbm>>, %arg3: memref<2048xi32, #tpu.memory_space<hbm>>, %arg4: memref<2048x768xf32, #tpu.memory_space<hbm>>, %arg5: memref<64xi32, #tpu.memory_space<vmem>>, %arg6: memref<64x768xf32, #tpu.memory_space<vmem>>, %arg7: memref<!tpu.dma_semaphore, #tpu.memory_space<semaphore_mem>>) attributes {dimension_semantics = [#tpu.dimension_semantics<core_parallel>, #tpu.dimension_semantics<subcore_parallel>], iteration_bounds = array<i64: 2, 16>, scalar_prefetch = 0 : i64, scratch_operands = 3 : i64, tpu.core_type = #tpu.core_type<sc_vector_subcore>, window_params = [{transform_indices = #map}, {transform_indices = #map1}, {transform_indices = #map}]} {
    %mul3A = arith.constant 2 : i32
    %mul3A_0 = arith.muli %arg1, %mul3A : i32
    %add3A = arith.addi %mul3A_0, %arg0 : i32
    %mul3A_1 = arith.constant 64 : i32
    %mul3A_2 = arith.muli %add3A, %mul3A_1 : i32
    "tpu.region"() ({
      %run_scoped3A = tpu.sem_alloc : memref<!tpu.dma_semaphore, #tpu.memory_space<semaphore_mem>>
      %dma_start3A_7 = tpu.memref_slice %arg3[%mul3A_2] : memref<2048xi32, #tpu.memory_space<hbm>> -> memref<64xi32, #tpu.memory_space<hbm>>
      %dma_start3A_8 = tpu.memref_slice %arg3[%mul3A_2] : memref<2048xi32, #tpu.memory_space<hbm>> -> memref<64xi32, #tpu.memory_space<hbm>>
      tpu.enqueue_dma source(%dma_start3A_8 : memref<64xi32, #tpu.memory_space<hbm>>) target(%arg5 : memref<64xi32, #tpu.memory_space<vmem>>) target_semaphore(%run_scoped3A : memref<!tpu.dma_semaphore, #tpu.memory_space<semaphore_mem>>)
      %dma_wait3A_9 = tpu.memref_slice %arg3[%mul3A_2] : memref<2048xi32, #tpu.memory_space<hbm>> -> memref<64xi32, #tpu.memory_space<hbm>>
      %dma_wait3A_10 = tpu.memref_slice %arg3[%mul3A_2] : memref<2048xi32, #tpu.memory_space<hbm>> -> memref<64xi32, #tpu.memory_space<hbm>>
      tpu.wait_dma2 semaphore(%run_scoped3A : memref<!tpu.dma_semaphore, #tpu.memory_space<semaphore_mem>>) src(%dma_wait3A_10 : memref<64xi32, #tpu.memory_space<hbm>>) dst(%arg5 : memref<64xi32, #tpu.memory_space<vmem>>)
      tpu.yield
    }) : () -> ()
    "tpu.region"() ({
      %run_scoped3A = tpu.sem_alloc : memref<!tpu.dma_semaphore, #tpu.memory_space<semaphore_mem>>
      %dma_start3A_7 = arith.constant 0 : i32
      %dma_start3A_8 = tpu.memref_slice %arg2[%mul3A_2, %dma_start3A_7] : memref<2048x768xf32, #tpu.memory_space<hbm>> -> memref<64x768xf32, #tpu.memory_space<hbm>>
      %dma_start3A_9 = arith.constant 0 : i32
      %dma_start3A_10 = tpu.memref_slice %arg2[%mul3A_2, %dma_start3A_9] : memref<2048x768xf32, #tpu.memory_space<hbm>> -> memref<64x768xf32, #tpu.memory_space<hbm>>
      tpu.enqueue_dma source(%dma_start3A_10 : memref<64x768xf32, #tpu.memory_space<hbm>>) target(%arg6 : memref<64x768xf32, #tpu.memory_space<vmem>>) target_semaphore(%run_scoped3A : memref<!tpu.dma_semaphore, #tpu.memory_space<semaphore_mem>>)
      %dma_wait3A_11 = arith.constant 0 : i32
      %dma_wait3A_12 = tpu.memref_slice %arg2[%mul3A_2, %dma_wait3A_11] : memref<2048x768xf32, #tpu.memory_space<hbm>> -> memref<64x768xf32, #tpu.memory_space<hbm>>
      %dma_wait3A_13 = arith.constant 0 : i32
      %dma_wait3A_14 = tpu.memref_slice %arg2[%mul3A_2, %dma_wait3A_13] : memref<2048x768xf32, #tpu.memory_space<hbm>> -> memref<64x768xf32, #tpu.memory_space<hbm>>
      tpu.wait_dma2 semaphore(%run_scoped3A : memref<!tpu.dma_semaphore, #tpu.memory_space<semaphore_mem>>) src(%dma_wait3A_14 : memref<64x768xf32, #tpu.memory_space<hbm>>) dst(%arg6 : memref<64x768xf32, #tpu.memory_space<vmem>>)
      tpu.yield
    }) : () -> ()
    %dma_start3A = arith.constant 0 : i32
    %dma_start3A_3 = arith.constant 0 : i32
    %dma_start3A_4 = tpu.memref_slice %arg4[%dma_start3A, %dma_start3A_3] : memref<2048x768xf32, #tpu.memory_space<hbm>> -> memref<2048x768xf32, #tpu.memory_space<hbm>>
    tpu.enqueue_indirect_dma source(%arg6 : memref<64x768xf32, #tpu.memory_space<vmem>>) target(%dma_start3A_4 : memref<2048x768xf32, #tpu.memory_space<hbm>>) offsets(%arg5 : memref<64xi32, #tpu.memory_space<vmem>>) semaphore(%arg7 : memref<!tpu.dma_semaphore, #tpu.memory_space<semaphore_mem>>)
    %dma_wait3A = arith.constant 0 : i32
    %dma_wait3A_5 = arith.constant 0 : i32
    %dma_wait3A_6 = tpu.memref_slice %arg4[%dma_wait3A, %dma_wait3A_5] : memref<2048x768xf32, #tpu.memory_space<hbm>> -> memref<2048x768xf32, #tpu.memory_space<hbm>>
    tpu.wait_indirect_dma semaphore(%arg7 : memref<!tpu.dma_semaphore, #tpu.memory_space<semaphore_mem>>) src(%arg6 : memref<64x768xf32, #tpu.memory_space<vmem>>) dst(%dma_wait3A_6 : memref<2048x768xf32, #tpu.memory_space<hbm>>)
    return
  }
}

#map = affine_map<(d0, d1) -> (0, 0)>
#map1 = affine_map<(d0, d1) -> (0)>
module attributes {stable_mosaic.version = 14 : i64} {
  func.func @permute(%arg0: i32, %arg1: i32, %arg2: memref<2048x768xf32, #tpu.memory_space<hbm>>, %arg3: memref<2048xi32, #tpu.memory_space<hbm>>, %arg4: memref<2048x768xf32, #tpu.memory_space<hbm>>, %arg5: memref<64xi32, #tpu.memory_space<vmem>>, %arg6: memref<64x768xf32, #tpu.memory_space<vmem>>, %arg7: memref<!tpu.dma_semaphore, #tpu.memory_space<semaphore_mem>>) attributes {dimension_semantics = [#tpu.dimension_semantics<core_parallel>, #tpu.dimension_semantics<subcore_parallel>], iteration_bounds = array<i64: 2, 16>, scalar_prefetch = 0 : i64, scratch_operands = 3 : i64, tpu.core_type = #tpu.core_type<sc_vector_subcore>, window_params = [{transform_indices = #map}, {transform_indices = #map1}, {transform_indices = #map}]} {
    %mul3A = arith.constant 2 : i32
    %mul3A_0 = arith.muli %arg1, %mul3A : i32
    %add3A = arith.addi %mul3A_0, %arg0 : i32
    %mul3A_1 = arith.constant 64 : i32
    %mul3A_2 = arith.muli %add3A, %mul3A_1 : i32
    "tpu.region"() ({
      %run_scoped3A = tpu.sem_alloc : memref<!tpu.dma_semaphore, #tpu.memory_space<semaphore_mem>>
      %dma_start3A_7 = tpu.memref_slice %arg3[%mul3A_2] : memref<2048xi32, #tpu.memory_space<hbm>> -> memref<64xi32, #tpu.memory_space<hbm>>
      %dma_start3A_8 = tpu.memref_slice %arg3[%mul3A_2] : memref<2048xi32, #tpu.memory_space<hbm>> -> memref<64xi32, #tpu.memory_space<hbm>>
      tpu.enqueue_dma source(%dma_start3A_8 : memref<64xi32, #tpu.memory_space<hbm>>) target(%arg5 : memref<64xi32, #tpu.memory_space<vmem>>) target_semaphore(%run_scoped3A : memref<!tpu.dma_semaphore, #tpu.memory_space<semaphore_mem>>)
      %dma_wait3A_9 = tpu.memref_slice %arg3[%mul3A_2] : memref<2048xi32, #tpu.memory_space<hbm>> -> memref<64xi32, #tpu.memory_space<hbm>>
      %dma_wait3A_10 = tpu.memref_slice %arg3[%mul3A_2] : memref<2048xi32, #tpu.memory_space<hbm>> -> memref<64xi32, #tpu.memory_space<hbm>>
      tpu.wait_dma2 semaphore(%run_scoped3A : memref<!tpu.dma_semaphore, #tpu.memory_space<semaphore_mem>>) src(%dma_wait3A_10 : memref<64xi32, #tpu.memory_space<hbm>>) dst(%arg5 : memref<64xi32, #tpu.memory_space<vmem>>)
      tpu.yield
    }) : () -> ()
    %dma_start3A = arith.constant 0 : i32
    %dma_start3A_3 = arith.constant 0 : i32
    %dma_start3A_4 = tpu.memref_slice %arg2[%dma_start3A, %dma_start3A_3] : memref<2048x768xf32, #tpu.memory_space<hbm>> -> memref<2048x768xf32, #tpu.memory_space<hbm>>
    tpu.enqueue_indirect_dma source(%dma_start3A_4 : memref<2048x768xf32, #tpu.memory_space<hbm>>) target(%arg6 : memref<64x768xf32, #tpu.memory_space<vmem>>) offsets(%arg5 : memref<64xi32, #tpu.memory_space<vmem>>) semaphore(%arg7 : memref<!tpu.dma_semaphore, #tpu.memory_space<semaphore_mem>>)
    %dma_wait3A = arith.constant 0 : i32
    %dma_wait3A_5 = arith.constant 0 : i32
    %dma_wait3A_6 = tpu.memref_slice %arg2[%dma_wait3A, %dma_wait3A_5] : memref<2048x768xf32, #tpu.memory_space<hbm>> -> memref<2048x768xf32, #tpu.memory_space<hbm>>
    tpu.wait_indirect_dma semaphore(%arg7 : memref<!tpu.dma_semaphore, #tpu.memory_space<semaphore_mem>>) src(%dma_wait3A_6 : memref<2048x768xf32, #tpu.memory_space<hbm>>) dst(%arg6 : memref<64x768xf32, #tpu.memory_space<vmem>>)
    "tpu.region"() ({
      %run_scoped3A = tpu.sem_alloc : memref<!tpu.dma_semaphore, #tpu.memory_space<semaphore_mem>>
      %dma_start3A_7 = arith.constant 0 : i32
      %dma_start3A_8 = tpu.memref_slice %arg4[%mul3A_2, %dma_start3A_7] : memref<2048x768xf32, #tpu.memory_space<hbm>> -> memref<64x768xf32, #tpu.memory_space<hbm>>
      %dma_start3A_9 = arith.constant 0 : i32
      %dma_start3A_10 = tpu.memref_slice %arg4[%mul3A_2, %dma_start3A_9] : memref<2048x768xf32, #tpu.memory_space<hbm>> -> memref<64x768xf32, #tpu.memory_space<hbm>>
      tpu.enqueue_dma source(%arg6 : memref<64x768xf32, #tpu.memory_space<vmem>>) target(%dma_start3A_10 : memref<64x768xf32, #tpu.memory_space<hbm>>) target_semaphore(%run_scoped3A : memref<!tpu.dma_semaphore, #tpu.memory_space<semaphore_mem>>)
      %dma_wait3A_11 = arith.constant 0 : i32
      %dma_wait3A_12 = tpu.memref_slice %arg4[%mul3A_2, %dma_wait3A_11] : memref<2048x768xf32, #tpu.memory_space<hbm>> -> memref<64x768xf32, #tpu.memory_space<hbm>>
      %dma_wait3A_13 = arith.constant 0 : i32
      %dma_wait3A_14 = tpu.memref_slice %arg4[%mul3A_2, %dma_wait3A_13] : memref<2048x768xf32, #tpu.memory_space<hbm>> -> memref<64x768xf32, #tpu.memory_space<hbm>>
      tpu.wait_dma2 semaphore(%run_scoped3A : memref<!tpu.dma_semaphore, #tpu.memory_space<semaphore_mem>>) src(%arg6 : memref<64x768xf32, #tpu.memory_space<vmem>>) dst(%dma_wait3A_14 : memref<64x768xf32, #tpu.memory_space<hbm>>)
      tpu.yield
    }) : () -> ()
    return
  }
}

module attributes {stable_mosaic.version = 14 : i64} {
  func.func @_ffn_tile_body(%arg0: i32, %arg1: memref<15xi32, #tpu.memory_space<smem>>, %arg2: memref<15xi32, #tpu.memory_space<smem>>, %arg3: memref<15xi32, #tpu.memory_space<smem>>, %arg4: memref<15xi32, #tpu.memory_space<smem>>, %arg5: memref<15xi32, #tpu.memory_space<smem>>, %arg6: memref<15xi32, #tpu.memory_space<smem>>, %arg7: memref<15xi32, #tpu.memory_space<smem>>, %arg8: memref<15xi32, #tpu.memory_space<smem>>, %arg9: memref<15xi32, #tpu.memory_space<smem>>, %arg10: memref<15xi32, #tpu.memory_space<smem>>, %arg11: memref<15xi32, #tpu.memory_space<smem>>, %arg12: memref<1xi32, #tpu.memory_space<smem>>, %arg13: memref<256x768xf32, #tpu.memory_space<vmem>>, %arg14: memref<8x768x1024xf32, #tpu.memory_space<hbm>>, %arg15: memref<8x1024x768xf32, #tpu.memory_space<hbm>>, %arg16: memref<1x1x1024xf32, #tpu.memory_space<vmem>>, %arg17: memref<1x1x768xf32, #tpu.memory_space<vmem>>, %arg18: memref<256x768xf32, #tpu.memory_space<vmem>>, %arg19: memref<4x768x1024xf32, #tpu.memory_space<vmem>>, %arg20: memref<4x1024x768xf32, #tpu.memory_space<vmem>>, %arg21: memref<4x!tpu.dma_semaphore, #tpu.memory_space<semaphore_mem>>, %arg22: memref<4x!tpu.dma_semaphore, #tpu.memory_space<semaphore_mem>>) attributes {dimension_semantics = [#tpu.dimension_semantics<arbitrary>], iteration_bounds = array<i64: 15>, scalar_prefetch = 12 : i64, scratch_operands = 4 : i64, tpu.core_type = #tpu.core_type<tc>, window_params = [{transform_indices = @transform_0, window_bounds = array<i64: 256, 768>}, {}, {}, {transform_indices = @transform_3, window_bounds = array<i64: 1, 1, 1024>}, {transform_indices = @transform_4, window_bounds = array<i64: 1, 1, 768>}, {transform_indices = @transform_5, window_bounds = array<i64: 256, 768>}]} {
    %get3A = arith.index_cast %arg0 : i32 to index
    %get3A_0 = memref.load %arg7[%get3A] : memref<15xi32, #tpu.memory_space<smem>>
    %eq3A = arith.constant 0 : i32
    %eq3A_1 = arith.cmpi eq, %arg0, %eq3A : i32
    %convert_element_type3A = arith.extui %eq3A_1 : i1 to i32
    %cond3A = arith.constant 0 : i32
    %cond3A_2 = arith.cmpi ne, %convert_element_type3A, %cond3A : i32
    scf.if %cond3A_2 {
      %get3A_74 = arith.constant 0 : index
      %get3A_75 = memref.load %arg11[%get3A_74] : memref<15xi32, #tpu.memory_space<smem>>
      %dma_start3A = arith.constant 0 : i32
      %dma_start3A_76 = arith.constant 0 : i32
      %dma_start3A_77 = tpu.memref_slice %arg21[%dma_start3A_76] : memref<4x!tpu.dma_semaphore, #tpu.memory_space<semaphore_mem>> -> memref<1x!tpu.dma_semaphore, #tpu.memory_space<semaphore_mem>>
      %dma_start3A_78 = tpu.memref_squeeze %dma_start3A_77 : memref<1x!tpu.dma_semaphore, #tpu.memory_space<semaphore_mem>> -> memref<!tpu.dma_semaphore, #tpu.memory_space<semaphore_mem>>
      %dma_start3A_79 = arith.constant 0 : i32
      %dma_start3A_80 = arith.constant 0 : i32
      %dma_start3A_81 = tpu.memref_slice %arg19[%dma_start3A, %dma_start3A_79, %dma_start3A_80] : memref<4x768x1024xf32, #tpu.memory_space<vmem>> -> memref<1x768x1024xf32, #tpu.memory_space<vmem>>
      %dma_start3A_82 = tpu.memref_squeeze %dma_start3A_81 : memref<1x768x1024xf32, #tpu.memory_space<vmem>> -> memref<768x1024xf32, #tpu.memory_space<vmem>>
      %dma_start3A_83 = arith.constant 0 : i32
      %dma_start3A_84 = arith.constant 0 : i32
      %dma_start3A_85 = tpu.memref_slice %arg14[%get3A_75, %dma_start3A_83, %dma_start3A_84] : memref<8x768x1024xf32, #tpu.memory_space<hbm>> -> memref<1x768x1024xf32, #tpu.memory_space<hbm>>
      %dma_start3A_86 = tpu.memref_squeeze %dma_start3A_85 : memref<1x768x1024xf32, #tpu.memory_space<hbm>> -> memref<768x1024xf32, #tpu.memory_space<hbm>>
      tpu.enqueue_dma source(%dma_start3A_86 : memref<768x1024xf32, #tpu.memory_space<hbm>>) target(%dma_start3A_82 : memref<768x1024xf32, #tpu.memory_space<vmem>>) target_semaphore(%dma_start3A_78 : memref<!tpu.dma_semaphore, #tpu.memory_space<semaphore_mem>>)
      %dma_start3A_87 = arith.constant 0 : i32
      %dma_start3A_88 = arith.constant 0 : i32
      %dma_start3A_89 = tpu.memref_slice %arg22[%dma_start3A_88] : memref<4x!tpu.dma_semaphore, #tpu.memory_space<semaphore_mem>> -> memref<1x!tpu.dma_semaphore, #tpu.memory_space<semaphore_mem>>
      %dma_start3A_90 = tpu.memref_squeeze %dma_start3A_89 : memref<1x!tpu.dma_semaphore, #tpu.memory_space<semaphore_mem>> -> memref<!tpu.dma_semaphore, #tpu.memory_space<semaphore_mem>>
      %dma_start3A_91 = arith.constant 0 : i32
      %dma_start3A_92 = arith.constant 0 : i32
      %dma_start3A_93 = tpu.memref_slice %arg20[%dma_start3A_87, %dma_start3A_91, %dma_start3A_92] : memref<4x1024x768xf32, #tpu.memory_space<vmem>> -> memref<1x1024x768xf32, #tpu.memory_space<vmem>>
      %dma_start3A_94 = tpu.memref_squeeze %dma_start3A_93 : memref<1x1024x768xf32, #tpu.memory_space<vmem>> -> memref<1024x768xf32, #tpu.memory_space<vmem>>
      %dma_start3A_95 = arith.constant 0 : i32
      %dma_start3A_96 = arith.constant 0 : i32
      %dma_start3A_97 = tpu.memref_slice %arg15[%get3A_75, %dma_start3A_95, %dma_start3A_96] : memref<8x1024x768xf32, #tpu.memory_space<hbm>> -> memref<1x1024x768xf32, #tpu.memory_space<hbm>>
      %dma_start3A_98 = tpu.memref_squeeze %dma_start3A_97 : memref<1x1024x768xf32, #tpu.memory_space<hbm>> -> memref<1024x768xf32, #tpu.memory_space<hbm>>
      tpu.enqueue_dma source(%dma_start3A_98 : memref<1024x768xf32, #tpu.memory_space<hbm>>) target(%dma_start3A_94 : memref<1024x768xf32, #tpu.memory_space<vmem>>) target_semaphore(%dma_start3A_90 : memref<!tpu.dma_semaphore, #tpu.memory_space<semaphore_mem>>)
      %get3A_99 = arith.constant 0 : index
      %get3A_100 = memref.load %arg12[%get3A_99] : memref<1xi32, #tpu.memory_space<smem>>
      %gt3A = arith.constant 1 : i32
      %gt3A_101 = arith.cmpi sgt, %get3A_100, %gt3A : i32
      %convert_element_type3A_102 = arith.extui %gt3A_101 : i1 to i32
      %cond3A_103 = arith.constant 0 : i32
      %cond3A_104 = arith.cmpi ne, %convert_element_type3A_102, %cond3A_103 : i32
      scf.if %cond3A_104 {
        %get3A_112 = arith.constant 1 : index
        %get3A_113 = memref.load %arg11[%get3A_112] : memref<15xi32, #tpu.memory_space<smem>>
        %dma_start3A_114 = arith.constant 1 : i32
        %dma_start3A_115 = arith.constant 1 : i32
        %dma_start3A_116 = tpu.memref_slice %arg21[%dma_start3A_115] : memref<4x!tpu.dma_semaphore, #tpu.memory_space<semaphore_mem>> -> memref<1x!tpu.dma_semaphore, #tpu.memory_space<semaphore_mem>>
        %dma_start3A_117 = tpu.memref_squeeze %dma_start3A_116 : memref<1x!tpu.dma_semaphore, #tpu.memory_space<semaphore_mem>> -> memref<!tpu.dma_semaphore, #tpu.memory_space<semaphore_mem>>
        %dma_start3A_118 = arith.constant 0 : i32
        %dma_start3A_119 = arith.constant 0 : i32
        %dma_start3A_120 = tpu.memref_slice %arg19[%dma_start3A_114, %dma_start3A_118, %dma_start3A_119] : memref<4x768x1024xf32, #tpu.memory_space<vmem>> -> memref<1x768x1024xf32, #tpu.memory_space<vmem>>
        %dma_start3A_121 = tpu.memref_squeeze %dma_start3A_120 : memref<1x768x1024xf32, #tpu.memory_space<vmem>> -> memref<768x1024xf32, #tpu.memory_space<vmem>>
        %dma_start3A_122 = arith.constant 0 : i32
        %dma_start3A_123 = arith.constant 0 : i32
        %dma_start3A_124 = tpu.memref_slice %arg14[%get3A_113, %dma_start3A_122, %dma_start3A_123] : memref<8x768x1024xf32, #tpu.memory_space<hbm>> -> memref<1x768x1024xf32, #tpu.memory_space<hbm>>
        %dma_start3A_125 = tpu.memref_squeeze %dma_start3A_124 : memref<1x768x1024xf32, #tpu.memory_space<hbm>> -> memref<768x1024xf32, #tpu.memory_space<hbm>>
        tpu.enqueue_dma source(%dma_start3A_125 : memref<768x1024xf32, #tpu.memory_space<hbm>>) target(%dma_start3A_121 : memref<768x1024xf32, #tpu.memory_space<vmem>>) target_semaphore(%dma_start3A_117 : memref<!tpu.dma_semaphore, #tpu.memory_space<semaphore_mem>>)
        %dma_start3A_126 = arith.constant 1 : i32
        %dma_start3A_127 = arith.constant 1 : i32
        %dma_start3A_128 = tpu.memref_slice %arg22[%dma_start3A_127] : memref<4x!tpu.dma_semaphore, #tpu.memory_space<semaphore_mem>> -> memref<1x!tpu.dma_semaphore, #tpu.memory_space<semaphore_mem>>
        %dma_start3A_129 = tpu.memref_squeeze %dma_start3A_128 : memref<1x!tpu.dma_semaphore, #tpu.memory_space<semaphore_mem>> -> memref<!tpu.dma_semaphore, #tpu.memory_space<semaphore_mem>>
        %dma_start3A_130 = arith.constant 0 : i32
        %dma_start3A_131 = arith.constant 0 : i32
        %dma_start3A_132 = tpu.memref_slice %arg20[%dma_start3A_126, %dma_start3A_130, %dma_start3A_131] : memref<4x1024x768xf32, #tpu.memory_space<vmem>> -> memref<1x1024x768xf32, #tpu.memory_space<vmem>>
        %dma_start3A_133 = tpu.memref_squeeze %dma_start3A_132 : memref<1x1024x768xf32, #tpu.memory_space<vmem>> -> memref<1024x768xf32, #tpu.memory_space<vmem>>
        %dma_start3A_134 = arith.constant 0 : i32
        %dma_start3A_135 = arith.constant 0 : i32
        %dma_start3A_136 = tpu.memref_slice %arg15[%get3A_113, %dma_start3A_134, %dma_start3A_135] : memref<8x1024x768xf32, #tpu.memory_space<hbm>> -> memref<1x1024x768xf32, #tpu.memory_space<hbm>>
        %dma_start3A_137 = tpu.memref_squeeze %dma_start3A_136 : memref<1x1024x768xf32, #tpu.memory_space<hbm>> -> memref<1024x768xf32, #tpu.memory_space<hbm>>
        tpu.enqueue_dma source(%dma_start3A_137 : memref<1024x768xf32, #tpu.memory_space<hbm>>) target(%dma_start3A_133 : memref<1024x768xf32, #tpu.memory_space<vmem>>) target_semaphore(%dma_start3A_129 : memref<!tpu.dma_semaphore, #tpu.memory_space<semaphore_mem>>)
      } else {
      }
      %get3A_105 = arith.constant 0 : index
      %get3A_106 = memref.load %arg12[%get3A_105] : memref<1xi32, #tpu.memory_space<smem>>
      %gt3A_107 = arith.constant 2 : i32
      %gt3A_108 = arith.cmpi sgt, %get3A_106, %gt3A_107 : i32
      %convert_element_type3A_109 = arith.extui %gt3A_108 : i1 to i32
      %cond3A_110 = arith.constant 0 : i32
      %cond3A_111 = arith.cmpi ne, %convert_element_type3A_109, %cond3A_110 : i32
      scf.if %cond3A_111 {
        %get3A_112 = arith.constant 2 : index
        %get3A_113 = memref.load %arg11[%get3A_112] : memref<15xi32, #tpu.memory_space<smem>>
        %dma_start3A_114 = arith.constant 2 : i32
        %dma_start3A_115 = arith.constant 2 : i32
        %dma_start3A_116 = tpu.memref_slice %arg21[%dma_start3A_115] : memref<4x!tpu.dma_semaphore, #tpu.memory_space<semaphore_mem>> -> memref<1x!tpu.dma_semaphore, #tpu.memory_space<semaphore_mem>>
        %dma_start3A_117 = tpu.memref_squeeze %dma_start3A_116 : memref<1x!tpu.dma_semaphore, #tpu.memory_space<semaphore_mem>> -> memref<!tpu.dma_semaphore, #tpu.memory_space<semaphore_mem>>
        %dma_start3A_118 = arith.constant 0 : i32
        %dma_start3A_119 = arith.constant 0 : i32
        %dma_start3A_120 = tpu.memref_slice %arg19[%dma_start3A_114, %dma_start3A_118, %dma_start3A_119] : memref<4x768x1024xf32, #tpu.memory_space<vmem>> -> memref<1x768x1024xf32, #tpu.memory_space<vmem>>
        %dma_start3A_121 = tpu.memref_squeeze %dma_start3A_120 : memref<1x768x1024xf32, #tpu.memory_space<vmem>> -> memref<768x1024xf32, #tpu.memory_space<vmem>>
        %dma_start3A_122 = arith.constant 0 : i32
        %dma_start3A_123 = arith.constant 0 : i32
        %dma_start3A_124 = tpu.memref_slice %arg14[%get3A_113, %dma_start3A_122, %dma_start3A_123] : memref<8x768x1024xf32, #tpu.memory_space<hbm>> -> memref<1x768x1024xf32, #tpu.memory_space<hbm>>
        %dma_start3A_125 = tpu.memref_squeeze %dma_start3A_124 : memref<1x768x1024xf32, #tpu.memory_space<hbm>> -> memref<768x1024xf32, #tpu.memory_space<hbm>>
        tpu.enqueue_dma source(%dma_start3A_125 : memref<768x1024xf32, #tpu.memory_space<hbm>>) target(%dma_start3A_121 : memref<768x1024xf32, #tpu.memory_space<vmem>>) target_semaphore(%dma_start3A_117 : memref<!tpu.dma_semaphore, #tpu.memory_space<semaphore_mem>>)
        %dma_start3A_126 = arith.constant 2 : i32
        %dma_start3A_127 = arith.constant 2 : i32
        %dma_start3A_128 = tpu.memref_slice %arg22[%dma_start3A_127] : memref<4x!tpu.dma_semaphore, #tpu.memory_space<semaphore_mem>> -> memref<1x!tpu.dma_semaphore, #tpu.memory_space<semaphore_mem>>
        %dma_start3A_129 = tpu.memref_squeeze %dma_start3A_128 : memref<1x!tpu.dma_semaphore, #tpu.memory_space<semaphore_mem>> -> memref<!tpu.dma_semaphore, #tpu.memory_space<semaphore_mem>>
        %dma_start3A_130 = arith.constant 0 : i32
        %dma_start3A_131 = arith.constant 0 : i32
        %dma_start3A_132 = tpu.memref_slice %arg20[%dma_start3A_126, %dma_start3A_130, %dma_start3A_131] : memref<4x1024x768xf32, #tpu.memory_space<vmem>> -> memref<1x1024x768xf32, #tpu.memory_space<vmem>>
        %dma_start3A_133 = tpu.memref_squeeze %dma_start3A_132 : memref<1x1024x768xf32, #tpu.memory_space<vmem>> -> memref<1024x768xf32, #tpu.memory_space<vmem>>
        %dma_start3A_134 = arith.constant 0 : i32
        %dma_start3A_135 = arith.constant 0 : i32
        %dma_start3A_136 = tpu.memref_slice %arg15[%get3A_113, %dma_start3A_134, %dma_start3A_135] : memref<8x1024x768xf32, #tpu.memory_space<hbm>> -> memref<1x1024x768xf32, #tpu.memory_space<hbm>>
        %dma_start3A_137 = tpu.memref_squeeze %dma_start3A_136 : memref<1x1024x768xf32, #tpu.memory_space<hbm>> -> memref<1024x768xf32, #tpu.memory_space<hbm>>
        tpu.enqueue_dma source(%dma_start3A_137 : memref<1024x768xf32, #tpu.memory_space<hbm>>) target(%dma_start3A_133 : memref<1024x768xf32, #tpu.memory_space<vmem>>) target_semaphore(%dma_start3A_129 : memref<!tpu.dma_semaphore, #tpu.memory_space<semaphore_mem>>)
      } else {
      }
    } else {
    }
    %get3A_3 = arith.index_cast %arg0 : i32 to index
    %get3A_4 = memref.load %arg6[%get3A_3] : memref<15xi32, #tpu.memory_space<smem>>
    %eq3A_5 = arith.constant 1 : i32
    %eq3A_6 = arith.cmpi eq, %get3A_4, %eq3A_5 : i32
    %convert_element_type3A_7 = arith.extui %eq3A_6 : i1 to i32
    %cond3A_8 = arith.constant 0 : i32
    %cond3A_9 = arith.cmpi ne, %convert_element_type3A_7, %cond3A_8 : i32
    scf.if %cond3A_9 {
      %get3A_74 = arith.index_cast %arg0 : i32 to index
      %get3A_75 = memref.load %arg10[%get3A_74] : memref<15xi32, #tpu.memory_space<smem>>
      %eq3A_76 = arith.constant 1 : i32
      %eq3A_77 = arith.cmpi eq, %get3A_75, %eq3A_76 : i32
      %convert_element_type3A_78 = arith.extui %eq3A_77 : i1 to i32
      %cond3A_79 = arith.constant 0 : i32
      %cond3A_80 = arith.cmpi ne, %convert_element_type3A_78, %cond3A_79 : i32
      scf.if %cond3A_80 {
        %get3A_102 = arith.index_cast %arg0 : i32 to index
        %get3A_103 = memref.load %arg9[%get3A_102] : memref<15xi32, #tpu.memory_space<smem>>
        %get3A_104 = arith.index_cast %arg0 : i32 to index
        %get3A_105 = memref.load %arg8[%get3A_104] : memref<15xi32, #tpu.memory_space<smem>>
        %dma_start3A = tpu.memref_slice %arg21[%get3A_105] : memref<4x!tpu.dma_semaphore, #tpu.memory_space<semaphore_mem>> -> memref<1x!tpu.dma_semaphore, #tpu.memory_space<semaphore_mem>>
        %dma_start3A_106 = tpu.memref_squeeze %dma_start3A : memref<1x!tpu.dma_semaphore, #tpu.memory_space<semaphore_mem>> -> memref<!tpu.dma_semaphore, #tpu.memory_space<semaphore_mem>>
        %dma_start3A_107 = arith.constant 0 : i32
        %dma_start3A_108 = arith.constant 0 : i32
        %dma_start3A_109 = tpu.memref_slice %arg19[%get3A_105, %dma_start3A_107, %dma_start3A_108] : memref<4x768x1024xf32, #tpu.memory_space<vmem>> -> memref<1x768x1024xf32, #tpu.memory_space<vmem>>
        %dma_start3A_110 = tpu.memref_squeeze %dma_start3A_109 : memref<1x768x1024xf32, #tpu.memory_space<vmem>> -> memref<768x1024xf32, #tpu.memory_space<vmem>>
        %dma_start3A_111 = arith.constant 0 : i32
        %dma_start3A_112 = arith.constant 0 : i32
        %dma_start3A_113 = tpu.memref_slice %arg14[%get3A_103, %dma_start3A_111, %dma_start3A_112] : memref<8x768x1024xf32, #tpu.memory_space<hbm>> -> memref<1x768x1024xf32, #tpu.memory_space<hbm>>
        %dma_start3A_114 = tpu.memref_squeeze %dma_start3A_113 : memref<1x768x1024xf32, #tpu.memory_space<hbm>> -> memref<768x1024xf32, #tpu.memory_space<hbm>>
        tpu.enqueue_dma source(%dma_start3A_114 : memref<768x1024xf32, #tpu.memory_space<hbm>>) target(%dma_start3A_110 : memref<768x1024xf32, #tpu.memory_space<vmem>>) target_semaphore(%dma_start3A_106 : memref<!tpu.dma_semaphore, #tpu.memory_space<semaphore_mem>>)
        %dma_start3A_115 = tpu.memref_slice %arg22[%get3A_105] : memref<4x!tpu.dma_semaphore, #tpu.memory_space<semaphore_mem>> -> memref<1x!tpu.dma_semaphore, #tpu.memory_space<semaphore_mem>>
        %dma_start3A_116 = tpu.memref_squeeze %dma_start3A_115 : memref<1x!tpu.dma_semaphore, #tpu.memory_space<semaphore_mem>> -> memref<!tpu.dma_semaphore, #tpu.memory_space<semaphore_mem>>
        %dma_start3A_117 = arith.constant 0 : i32
        %dma_start3A_118 = arith.constant 0 : i32
        %dma_start3A_119 = tpu.memref_slice %arg20[%get3A_105, %dma_start3A_117, %dma_start3A_118] : memref<4x1024x768xf32, #tpu.memory_space<vmem>> -> memref<1x1024x768xf32, #tpu.memory_space<vmem>>
        %dma_start3A_120 = tpu.memref_squeeze %dma_start3A_119 : memref<1x1024x768xf32, #tpu.memory_space<vmem>> -> memref<1024x768xf32, #tpu.memory_space<vmem>>
        %dma_start3A_121 = arith.constant 0 : i32
        %dma_start3A_122 = arith.constant 0 : i32
        %dma_start3A_123 = tpu.memref_slice %arg15[%get3A_103, %dma_start3A_121, %dma_start3A_122] : memref<8x1024x768xf32, #tpu.memory_space<hbm>> -> memref<1x1024x768xf32, #tpu.memory_space<hbm>>
        %dma_start3A_124 = tpu.memref_squeeze %dma_start3A_123 : memref<1x1024x768xf32, #tpu.memory_space<hbm>> -> memref<1024x768xf32, #tpu.memory_space<hbm>>
        tpu.enqueue_dma source(%dma_start3A_124 : memref<1024x768xf32, #tpu.memory_space<hbm>>) target(%dma_start3A_120 : memref<1024x768xf32, #tpu.memory_space<vmem>>) target_semaphore(%dma_start3A_116 : memref<!tpu.dma_semaphore, #tpu.memory_space<semaphore_mem>>)
      } else {
      }
      %dma_wait3A = arith.constant 0 : i32
      %dma_wait3A_81 = tpu.memref_slice %arg21[%get3A_0] : memref<4x!tpu.dma_semaphore, #tpu.memory_space<semaphore_mem>> -> memref<1x!tpu.dma_semaphore, #tpu.memory_space<semaphore_mem>>
      %dma_wait3A_82 = tpu.memref_squeeze %dma_wait3A_81 : memref<1x!tpu.dma_semaphore, #tpu.memory_space<semaphore_mem>> -> memref<!tpu.dma_semaphore, #tpu.memory_space<semaphore_mem>>
      %dma_wait3A_83 = arith.constant 0 : i32
      %dma_wait3A_84 = arith.constant 0 : i32
      %dma_wait3A_85 = tpu.memref_slice %arg19[%get3A_0, %dma_wait3A_83, %dma_wait3A_84] : memref<4x768x1024xf32, #tpu.memory_space<vmem>> -> memref<1x768x1024xf32, #tpu.memory_space<vmem>>
      %dma_wait3A_86 = tpu.memref_squeeze %dma_wait3A_85 : memref<1x768x1024xf32, #tpu.memory_space<vmem>> -> memref<768x1024xf32, #tpu.memory_space<vmem>>
      %dma_wait3A_87 = arith.constant 0 : i32
      %dma_wait3A_88 = arith.constant 0 : i32
      %dma_wait3A_89 = tpu.memref_slice %arg14[%dma_wait3A, %dma_wait3A_87, %dma_wait3A_88] : memref<8x768x1024xf32, #tpu.memory_space<hbm>> -> memref<1x768x1024xf32, #tpu.memory_space<hbm>>
      %dma_wait3A_90 = tpu.memref_squeeze %dma_wait3A_89 : memref<1x768x1024xf32, #tpu.memory_space<hbm>> -> memref<768x1024xf32, #tpu.memory_space<hbm>>
      tpu.wait_dma2 semaphore(%dma_wait3A_82 : memref<!tpu.dma_semaphore, #tpu.memory_space<semaphore_mem>>) src(%dma_wait3A_90 : memref<768x1024xf32, #tpu.memory_space<hbm>>) dst(%dma_wait3A_86 : memref<768x1024xf32, #tpu.memory_space<vmem>>)
      %dma_wait3A_91 = arith.constant 0 : i32
      %dma_wait3A_92 = tpu.memref_slice %arg22[%get3A_0] : memref<4x!tpu.dma_semaphore, #tpu.memory_space<semaphore_mem>> -> memref<1x!tpu.dma_semaphore, #tpu.memory_space<semaphore_mem>>
      %dma_wait3A_93 = tpu.memref_squeeze %dma_wait3A_92 : memref<1x!tpu.dma_semaphore, #tpu.memory_space<semaphore_mem>> -> memref<!tpu.dma_semaphore, #tpu.memory_space<semaphore_mem>>
      %dma_wait3A_94 = arith.constant 0 : i32
      %dma_wait3A_95 = arith.constant 0 : i32
      %dma_wait3A_96 = tpu.memref_slice %arg20[%get3A_0, %dma_wait3A_94, %dma_wait3A_95] : memref<4x1024x768xf32, #tpu.memory_space<vmem>> -> memref<1x1024x768xf32, #tpu.memory_space<vmem>>
      %dma_wait3A_97 = tpu.memref_squeeze %dma_wait3A_96 : memref<1x1024x768xf32, #tpu.memory_space<vmem>> -> memref<1024x768xf32, #tpu.memory_space<vmem>>
      %dma_wait3A_98 = arith.constant 0 : i32
      %dma_wait3A_99 = arith.constant 0 : i32
      %dma_wait3A_100 = tpu.memref_slice %arg15[%dma_wait3A_91, %dma_wait3A_98, %dma_wait3A_99] : memref<8x1024x768xf32, #tpu.memory_space<hbm>> -> memref<1x1024x768xf32, #tpu.memory_space<hbm>>
      %dma_wait3A_101 = tpu.memref_squeeze %dma_wait3A_100 : memref<1x1024x768xf32, #tpu.memory_space<hbm>> -> memref<1024x768xf32, #tpu.memory_space<hbm>>
      tpu.wait_dma2 semaphore(%dma_wait3A_93 : memref<!tpu.dma_semaphore, #tpu.memory_space<semaphore_mem>>) src(%dma_wait3A_101 : memref<1024x768xf32, #tpu.memory_space<hbm>>) dst(%dma_wait3A_97 : memref<1024x768xf32, #tpu.memory_space<vmem>>)
    } else {
    }
    %get3A_10 = arith.constant 0 : index
    %get3A_11 = arith.constant 0 : index
    %get3A_12 = vector.load %arg13[%get3A_10, %get3A_11] : memref<256x768xf32, #tpu.memory_space<vmem>>, vector<256x768xf32>
    %convert_element_type3A_13 = arith.truncf %get3A_12 : vector<256x768xf32> to vector<256x768xbf16>
    %get3A_14 = arith.index_cast %get3A_0 : i32 to index
    %get3A_15 = arith.constant 0 : index
    %get3A_16 = arith.constant 0 : index
    %get3A_17 = vector.load %arg19[%get3A_14, %get3A_15, %get3A_16] : memref<4x768x1024xf32, #tpu.memory_space<vmem>>, vector<1x768x1024xf32>
    %get3A_18 = vector.shape_cast %get3A_17 : vector<1x768x1024xf32> to vector<768x1024xf32>
    %convert_element_type3A_19 = arith.truncf %get3A_18 : vector<768x1024xf32> to vector<768x1024xbf16>
    %dot_general3A = arith.constant dense<0.000000e+00> : vector<256x1024xf32>
    %dot_general3A_20 = tpu.matmul %convert_element_type3A_13, %convert_element_type3A_19, %dot_general3A {dimension_numbers = #tpu.dot_dimension_numbers<[1], [0], [0], [1], [0, 0, 1, 1], [], []>, transpose_lhs_hint = false} : vector<256x768xbf16>, vector<768x1024xbf16>, vector<256x1024xf32> -> vector<256x1024xf32>
    %get3A_21 = arith.constant 0 : index
    %get3A_22 = arith.constant 0 : index
    %get3A_23 = arith.constant 0 : index
    %get3A_24 = vector.load %arg16[%get3A_21, %get3A_22, %get3A_23] : memref<1x1x1024xf32, #tpu.memory_space<vmem>>, vector<1x1x1024xf32>
    %get3A_25 = vector.shape_cast %get3A_24 : vector<1x1x1024xf32> to vector<1x1024xf32>
    %add3A = vector.broadcast %get3A_25 : vector<1x1024xf32> to vector<256x1024xf32>
    %add3A_26 = arith.addf %dot_general3A_20, %add3A : vector<256x1024xf32>
    %mul3A = arith.constant 5.000000e-01 : f32
    %mul3A_27 = vector.broadcast %mul3A : f32 to vector<256x1024xf32>
    %mul3A_28 = arith.mulf %mul3A_27, %add3A_26 : vector<256x1024xf32>
    %mul3A_29 = arith.constant 0.707106769 : f32
    %mul3A_30 = vector.broadcast %mul3A_29 : f32 to vector<256x1024xf32>
    %mul3A_31 = arith.mulf %add3A_26, %mul3A_30 : vector<256x1024xf32>
    %erf3A = math.erf %mul3A_31 : vector<256x1024xf32>
    %add3A_32 = arith.constant 1.000000e+00 : f32
    %add3A_33 = vector.broadcast %add3A_32 : f32 to vector<256x1024xf32>
    %add3A_34 = arith.addf %add3A_33, %erf3A : vector<256x1024xf32>
    %mul3A_35 = arith.mulf %mul3A_28, %add3A_34 : vector<256x1024xf32>
    %convert_element_type3A_36 = arith.truncf %mul3A_35 : vector<256x1024xf32> to vector<256x1024xbf16>
    %get3A_37 = arith.index_cast %get3A_0 : i32 to index
    %get3A_38 = arith.constant 0 : index
    %get3A_39 = arith.constant 0 : index
    %get3A_40 = vector.load %arg20[%get3A_37, %get3A_38, %get3A_39] : memref<4x1024x768xf32, #tpu.memory_space<vmem>>, vector<1x1024x768xf32>
    %get3A_41 = vector.shape_cast %get3A_40 : vector<1x1024x768xf32> to vector<1024x768xf32>
    %convert_element_type3A_42 = arith.truncf %get3A_41 : vector<1024x768xf32> to vector<1024x768xbf16>
    %dot_general3A_43 = arith.constant dense<0.000000e+00> : vector<256x768xf32>
    %dot_general3A_44 = tpu.matmul %convert_element_type3A_36, %convert_element_type3A_42, %dot_general3A_43 {dimension_numbers = #tpu.dot_dimension_numbers<[1], [0], [0], [1], [0, 0, 1, 1], [], []>, transpose_lhs_hint = false} : vector<256x1024xbf16>, vector<1024x768xbf16>, vector<256x768xf32> -> vector<256x768xf32>
    %get3A_45 = arith.constant 0 : index
    %get3A_46 = arith.constant 0 : index
    %get3A_47 = arith.constant 0 : index
    %get3A_48 = vector.load %arg17[%get3A_45, %get3A_46, %get3A_47] : memref<1x1x768xf32, #tpu.memory_space<vmem>>, vector<1x1x768xf32>
    %get3A_49 = vector.shape_cast %get3A_48 : vector<1x1x768xf32> to vector<1x768xf32>
    %add3A_50 = vector.broadcast %get3A_49 : vector<1x768xf32> to vector<256x768xf32>
    %add3A_51 = arith.addf %dot_general3A_44, %add3A_50 : vector<256x768xf32>
    %iota3A = tpu.iota {dimensions = array<i32: 0>} : vector<256x1xi32>
    %get3A_52 = arith.index_cast %arg0 : i32 to index
    %get3A_53 = memref.load %arg3[%get3A_52] : memref<15xi32, #tpu.memory_space<smem>>
    %ge3A = vector.broadcast %get3A_53 : i32 to vector<256x1xi32>
    %ge3A_54 = arith.cmpi sge, %iota3A, %ge3A : vector<256x1xi32>
    %get3A_55 = arith.index_cast %arg0 : i32 to index
    %get3A_56 = memref.load %arg4[%get3A_55] : memref<15xi32, #tpu.memory_space<smem>>
    %lt3A = vector.broadcast %get3A_56 : i32 to vector<256x1xi32>
    %lt3A_57 = arith.cmpi slt, %iota3A, %lt3A : vector<256x1xi32>
    %and3A = arith.andi %ge3A_54, %lt3A_57 : vector<256x1xi1>
    %jit3A = arith.constant 0.000000e+00 : f32
    %broadcast_in_dim3A = vector.shape_cast %and3A : vector<256x1xi1> to vector<256x1xi1>
    %broadcast_in_dim3A_58 = vector.broadcast %broadcast_in_dim3A : vector<256x1xi1> to vector<256x768xi1>
    %broadcast_in_dim3A_59 = vector.broadcast %jit3A : f32 to vector<256x768xf32>
    %select_n3A = arith.select %broadcast_in_dim3A_58, %add3A_51, %broadcast_in_dim3A_59 : vector<256x768xi1>, vector<256x768xf32>
    %get3A_60 = arith.index_cast %arg0 : i32 to index
    %get3A_61 = memref.load %arg5[%get3A_60] : memref<15xi32, #tpu.memory_space<smem>>
    %eq3A_62 = arith.constant 1 : i32
    %eq3A_63 = arith.cmpi eq, %get3A_61, %eq3A_62 : i32
    %convert_element_type3A_64 = arith.extui %eq3A_63 : i1 to i32
    %cond3A_65 = arith.constant 0 : i32
    %cond3A_66 = arith.cmpi ne, %convert_element_type3A_64, %cond3A_65 : i32
    scf.if %cond3A_66 {
      %swap3A = arith.constant 0 : index
      %swap3A_74 = arith.constant 0 : index
      %swap3A_75 = vector.load %arg18[%swap3A, %swap3A_74] : memref<256x768xf32, #tpu.memory_space<vmem>>, vector<256x768xf32>
      tpu.vector_store %arg18[%swap3A, %swap3A_74], %select_n3A {strides = array<i32>} : memref<256x768xf32, #tpu.memory_space<vmem>>, vector<256x768xf32>,
    } else {
    }
    %get3A_67 = arith.index_cast %arg0 : i32 to index
    %get3A_68 = memref.load %arg5[%get3A_67] : memref<15xi32, #tpu.memory_space<smem>>
    %eq3A_69 = arith.constant 0 : i32
    %eq3A_70 = arith.cmpi eq, %get3A_68, %eq3A_69 : i32
    %convert_element_type3A_71 = arith.extui %eq3A_70 : i1 to i32
    %cond3A_72 = arith.constant 0 : i32
    %cond3A_73 = arith.cmpi ne, %convert_element_type3A_71, %cond3A_72 : i32
    scf.if %cond3A_73 {
      %get3A_74 = arith.constant 0 : index
      %get3A_75 = arith.constant 0 : index
      %get3A_76 = vector.load %arg18[%get3A_74, %get3A_75] : memref<256x768xf32, #tpu.memory_space<vmem>>, vector<256x768xf32>
      %add3A_77 = arith.addf %get3A_76, %select_n3A : vector<256x768xf32>
      %swap3A = arith.constant 0 : index
      %swap3A_78 = arith.constant 0 : index
      %swap3A_79 = vector.load %arg18[%swap3A, %swap3A_78] : memref<256x768xf32, #tpu.memory_space<vmem>>, vector<256x768xf32>
      tpu.vector_store %arg18[%swap3A, %swap3A_78], %add3A_77 {strides = array<i32>} : memref<256x768xf32, #tpu.memory_space<vmem>>, vector<256x768xf32>,
    } else {
    }
    return
  }
  func.func @transform_0(%arg0: i32, %arg1: memref<15xi32, #tpu.memory_space<smem>>, %arg2: memref<15xi32, #tpu.memory_space<smem>>, %arg3: memref<15xi32, #tpu.memory_space<smem>>, %arg4: memref<15xi32, #tpu.memory_space<smem>>, %arg5: memref<15xi32, #tpu.memory_space<smem>>, %arg6: memref<15xi32, #tpu.memory_space<smem>>, %arg7: memref<15xi32, #tpu.memory_space<smem>>, %arg8: memref<15xi32, #tpu.memory_space<smem>>, %arg9: memref<15xi32, #tpu.memory_space<smem>>, %arg10: memref<15xi32, #tpu.memory_space<smem>>, %arg11: memref<15xi32, #tpu.memory_space<smem>>, %arg12: memref<1xi32, #tpu.memory_space<smem>>) -> (i32, i32) {
    %get3A = arith.index_cast %arg0 : i32 to index
    %get3A_0 = memref.load %arg1[%get3A] : memref<15xi32, #tpu.memory_space<smem>>
    %c0_i32 = arith.constant 0 : i32
    %c0_i32_1 = arith.constant 0 : i32
    return %get3A_0, %c0_i32 : i32, i32
  }
  func.func @transform_3(%arg0: i32, %arg1: memref<15xi32, #tpu.memory_space<smem>>, %arg2: memref<15xi32, #tpu.memory_space<smem>>, %arg3: memref<15xi32, #tpu.memory_space<smem>>, %arg4: memref<15xi32, #tpu.memory_space<smem>>, %arg5: memref<15xi32, #tpu.memory_space<smem>>, %arg6: memref<15xi32, #tpu.memory_space<smem>>, %arg7: memref<15xi32, #tpu.memory_space<smem>>, %arg8: memref<15xi32, #tpu.memory_space<smem>>, %arg9: memref<15xi32, #tpu.memory_space<smem>>, %arg10: memref<15xi32, #tpu.memory_space<smem>>, %arg11: memref<15xi32, #tpu.memory_space<smem>>, %arg12: memref<1xi32, #tpu.memory_space<smem>>) -> (i32, i32, i32) {
    %get3A = arith.index_cast %arg0 : i32 to index
    %get3A_0 = memref.load %arg2[%get3A] : memref<15xi32, #tpu.memory_space<smem>>
    %c0_i32 = arith.constant 0 : i32
    %c0_i32_1 = arith.constant 0 : i32
    %c0_i32_2 = arith.constant 0 : i32
    return %get3A_0, %c0_i32, %c0_i32_1 : i32, i32, i32
  }
  func.func @transform_4(%arg0: i32, %arg1: memref<15xi32, #tpu.memory_space<smem>>, %arg2: memref<15xi32, #tpu.memory_space<smem>>, %arg3: memref<15xi32, #tpu.memory_space<smem>>, %arg4: memref<15xi32, #tpu.memory_space<smem>>, %arg5: memref<15xi32, #tpu.memory_space<smem>>, %arg6: memref<15xi32, #tpu.memory_space<smem>>, %arg7: memref<15xi32, #tpu.memory_space<smem>>, %arg8: memref<15xi32, #tpu.memory_space<smem>>, %arg9: memref<15xi32, #tpu.memory_space<smem>>, %arg10: memref<15xi32, #tpu.memory_space<smem>>, %arg11: memref<15xi32, #tpu.memory_space<smem>>, %arg12: memref<1xi32, #tpu.memory_space<smem>>) -> (i32, i32, i32) {
    %get3A = arith.index_cast %arg0 : i32 to index
    %get3A_0 = memref.load %arg2[%get3A] : memref<15xi32, #tpu.memory_space<smem>>
    %c0_i32 = arith.constant 0 : i32
    %c0_i32_1 = arith.constant 0 : i32
    %c0_i32_2 = arith.constant 0 : i32
    return %get3A_0, %c0_i32, %c0_i32_1 : i32, i32, i32
  }
  func.func @transform_5(%arg0: i32, %arg1: memref<15xi32, #tpu.memory_space<smem>>, %arg2: memref<15xi32, #tpu.memory_space<smem>>, %arg3: memref<15xi32, #tpu.memory_space<smem>>, %arg4: memref<15xi32, #tpu.memory_space<smem>>, %arg5: memref<15xi32, #tpu.memory_space<smem>>, %arg6: memref<15xi32, #tpu.memory_space<smem>>, %arg7: memref<15xi32, #tpu.memory_space<smem>>, %arg8: memref<15xi32, #tpu.memory_space<smem>>, %arg9: memref<15xi32, #tpu.memory_space<smem>>, %arg10: memref<15xi32, #tpu.memory_space<smem>>, %arg11: memref<15xi32, #tpu.memory_space<smem>>, %arg12: memref<1xi32, #tpu.memory_space<smem>>) -> (i32, i32) {
    %get3A = arith.index_cast %arg0 : i32 to index
    %get3A_0 = memref.load %arg1[%get3A] : memref<15xi32, #tpu.memory_space<smem>>
    %c0_i32 = arith.constant 0 : i32
    %c0_i32_1 = arith.constant 0 : i32
    return %get3A_0, %c0_i32 : i32, i32
  }
}

</mosaic_0001>

<sc_bundles>
// kernel: kernel.5.cloned.1.call-start
scs
__scs_entry_jumppad:
0x0: {  	(pc) =	sbr.rel $0x88, $3  }
0x1: {  	(tag) =	ssettag $0x0;
	lr =	simm.s32 $0x1  }
0x2: {  	[smem:$0x3F9B] =	sst lr;
	_ =	strace $0xD0000000  }
0x3: {  	_ = 	snop  }
0x4: {  	_ = 	snop  }
0x5: {  	_ = 	snop  }
0x6: {  	_ = 	snop  }
0x7: {  	_ = 	snop  }
__scs_overlays_trampoline_lowered:
0x8: {  	[smem:$0x3FAA] =	sst s0  }
0x9: {  	[smem:$0x3FAB] =	sst s1  }
0xa: {  	[smem:$0x3FAC] =	sst s2  }
0xb: {  	[smem:$0x3FAD] =	sst s3  }
0xc: {  	[smem:$0x3FAE] =	sst s4  }
0xd: {  	[smem:$0x3FAF] =	sst s5  }
0xe: {  	[smem:$0x3FB0] =	sst s6  }
0xf: {  	[smem:$0x3FB1] =	sst s7  }
0x10: {  	[smem:$0x3FB2] =	sst s8  }
0x11: {  	[smem:$0x3FB3] =	sst s9;
	s0 =	simm.s32 @!p0 $0x0  }
0x12: {  	s1 =	sld [smem:$0x3F99];
	s0 =	simm.s32 @p0 $0x1  }
0x13: {  	[smem:$0x3FB4] =	sst s0;
	s0 =	simm.s32 @!p1 $0x0  }
0x14: {  	s2 =	sld [smem:$0x3F98];
	s0 =	simm.s32 @p1 $0x1  }
0x15: {  	[smem:$0x3FB5] =	sst s0;
	s0 =	simm.s32 @!p2 $0x0  }
0x16: {  	s3 =	sld [smem:$0x3FDB];
	s0 =	simm.s32 @p2 $0x1  }
0x17: {  	s4 =	simm.s32 $0x1BF5;
	[smem:$0x3FB7] =	sst s0  }
0x18: {  	s0 =	sld [smem:$0x3F9A];
	_ =	swait.ge [sflag:s4], $0x0  }
0x19: {  	s7 =	sld [smem:$0x3F9B]  }
0x1a: {  	s8 =	sadd.s32 $0xFFFFE003, lr  }
0x1b: {  	s9 =	sadd.s32 $0xFFFFFEF7, lr;
	s5 =	simm.s32 $0xFFFFFFFF;
	p2 =	slt.u32 s8, $0xFFFFF086  }
0x1c: {  	p1 =	slt.u32 s9, $0xF7A;
	s5 =	simm.s32 @!p2 $0x0  }
0x1d: {  	s5 =	simm.s32 @p1 $0x1;
	p0 =	seq.s32 s7, s2  }
0x1e: {  	s7 =	smul.u32 @!p0 $0xF7A, s2;
	p2 =	seq.s32 @!p0 s5, $0x0  }
0x1f: {  	s9 =	smul.u32 $0xF7A, s1;
	s8 =	simm.s32 @!p0 $0x1BF5;
	p2 =	por !p2, p0  }
0x20: {  	[sflag:s8] =	ssyncset.s32 @!p0 $0xFFFFF086;
	s6 =	sadd.s32 @!p0 s3, s7;
	s7 =	simm.s32 @!p0 $0x108  }
0x21: {  	s3 =	sadd.s32 s3, s9;
	s6 =	sadd.s32 @!p0 $0x88, s6;
	s7 =	simm.s32 @p2 $0x1082  }
0x22: {  	[simem:s7], [sflag:s8] =	dma.local @!p0 [hbm:s6], $0xF7A  }
0x23: {  	s9 =	sor.u32 $0xD0000000, s2;
	s6 =	simm.s32 $0x108;
	_ =	swait.ge @!p0 [sflag:s8], $0x0  }
0x24: {  	s3 =	sadd.s32 $0x88, s3;
	s6 =	simm.s32 @!p1 $0x1082;
	[sflag:s4] =	ssyncset.s32 $0xFFFFF086  }
0x25: {  	[simem:s6], [sflag:s4] =	dma.local [hbm:s3], $0xF7A  }
0x26: {  	[smem:$0x3F9B] =	sst s1;
	(tag) =	ssettag s2;
	_ =	strace s9  }
0x27: {  	s1 =	sld [smem:$0x3FAB]  }
0x28: {  	s2 =	sld [smem:$0x3FAC]  }
0x29: {  	s4 =	sld [smem:$0x3FAE]  }
0x2a: {  	p0 =	seq.s32 s5, $0x0;
	s5 =	sld [smem:$0x3FAF]  }
0x2b: {  	s6 =	sld [smem:$0x3FB0]  }
0x2c: {  	s7 =	sld [smem:$0x3FB1]  }
0x2d: {  	s3 =	simm.s32 $0x108;
	s8 =	sld [smem:$0x3FB2]  }
0x2e: {  	s3 =	simm.s32 @!p0 $0x1082;
	s9 =	sld [smem:$0x3FB3]  }
0x2f: {  	lr =	sadd.s32 s0, s3;
	s0 =	sld [smem:$0x3FAA]  }
0x30: {  	s3 =	sld [smem:$0x3FAD]  }
0x31: {  	[smem:$0x3FB6] =	sst s10  }
0x32: {  	s10 =	sld [smem:$0x3FB4];
	_ =	sdelay $0x3  }
0x33: {  	p0 =	seq.s32 s10, $0x1;
	s10 =	sld [smem:$0x3FB6];
	_ =	sdelay $0x3  }
0x34: {  	[smem:$0x3FB6] =	sst s10  }
0x35: {  	s10 =	sld [smem:$0x3FB5];
	_ =	sdelay $0x3  }
0x36: {  	p1 =	seq.s32 s10, $0x1;
	s10 =	sld [smem:$0x3FB6];
	_ =	sdelay $0x3  }
0x37: {  	[smem:$0x3FB6] =	sst s10  }
0x38: {  	s10 =	sld [smem:$0x3FB7]  }
0x39: {  	_ = 	snop;
	(pc) =	sbr.ind lr, $3  }
0x3a: {  	_ = 	snop  }
0x3b: {  	_ = 	snop  }
0x3c: {  	p2 =	seq.s32 s10, $0x1;
	s10 =	sld [smem:$0x3FB6]  }
0x3d: {  	_ =	shalt  }
0x3e: {  	_ =	shalt  }
0x3f: {  	_ =	shalt  }
0x40: {  	_ =	shalt  }
0x41: {  	_ =	shalt  }
0x42: {  	_ =	shalt  }
0x43: {  	_ =	shalt  }
0x44: {  	_ =	shalt  }
0x45: {  	_ =	shalt  }
0x46: {  	_ =	shalt  }
0x47: {  	_ =	shalt  }
0x48: {  	_ =	shalt  }
0x49: {  	_ =	shalt  }
0x4a: {  	_ =	shalt  }
0x4b: {  	_ =	shalt  }
0x4c: {  	_ =	shalt  }
0x4d: {  	_ =	shalt  }
0x4e: {  	_ =	shalt  }
0x4f: {  	_ =	shalt  }
0x50: {  	_ =	shalt  }
0x51: {  	_ =	shalt  }
0x52: {  	_ =	shalt  }
0x53: {  	_ =	shalt  }
0x54: {  	_ =	shalt  }
0x55: {  	_ =	shalt  }
0x56: {  	_ =	shalt  }
0x57: {  	_ =	shalt  }
0x58: {  	_ =	shalt  }
0x59: {  	_ =	shalt  }
0x5a: {  	_ =	shalt  }
0x5b: {  	_ =	shalt  }
0x5c: {  	_ =	shalt  }
0x5d: {  	_ =	shalt  }
0x5e: {  	_ =	shalt  }
0x5f: {  	_ =	shalt  }
0x60: {  	_ =	shalt  }
0x61: {  	_ =	shalt  }
0x62: {  	_ =	shalt  }
0x63: {  	_ =	shalt  }
0x64: {  	_ =	shalt  }
0x65: {  	_ =	shalt  }
0x66: {  	_ =	shalt  }
0x67: {  	_ =	shalt  }
0x68: {  	_ =	shalt  }
0x69: {  	_ =	shalt  }
0x6a: {  	_ =	shalt  }
0x6b: {  	_ =	shalt  }
0x6c: {  	_ =	shalt  }
0x6d: {  	_ =	shalt  }
0x6e: {  	_ =	shalt  }
0x6f: {  	_ =	shalt  }
0x70: {  	_ =	shalt  }
0x71: {  	_ =	shalt  }
0x72: {  	_ =	shalt  }
0x73: {  	_ =	shalt  }
0x74: {  	_ =	shalt  }
0x75: {  	_ =	shalt  }
0x76: {  	_ =	shalt  }
0x77: {  	_ =	shalt  }
0x78: {  	_ =	shalt  }
0x79: {  	_ =	shalt  }
0x7a: {  	_ =	shalt  }
0x7b: {  	_ =	shalt  }
0x7c: {  	_ =	shalt  }
0x7d: {  	_ =	shalt  }
0x7e: {  	_ =	shalt  }
0x7f: {  	_ =	shalt  }
0x80: {  	_ =	shalt  }
0x81: {  	_ =	shalt  }
0x82: {  	_ =	shalt  }
0x83: {  	_ =	shalt  }
0x84: {  	_ =	shalt  }
0x85: {  	_ =	shalt  }
0x86: {  	_ =	shalt  }
0x87: {  	_ =	shalt  }
.Lfunc_end0:
.L_simem_size_0:
called_computation_lowered:
.L_overlay_start_0:
0x88: {  	s2 =	sld [smem:$0x3FD9]  }
0x89: {  	s3 =	sld [smem:$0x3FFE];
	_ =	sdelay $0x1  }
0x8a: {  	s1 =	srdreg.scid  }
0x8b: {  	s0 =	sand.u32 $0x1, s1  }
0x8c: {  	s17 =	sshll.u32 s0, $0xA;
	s2 =	sadd.s32 s3, s2  }
0x8d: {  	s2 =	sadd.s32 s2, s17  }
0x8e: {  	[smem:$0x3FC2] =	sst s2  }
0x8f: {  	_ = 	snop  }
0x90: {  	s2 =	sld [smem:$0x3FC9]  }
0x91: {  	s18 =	sld [smem:$0x3FD0];
	(tm) =	ssettm $0x1  }
0x92: {  	s4 =	sld [smem:$0x3FFB];
	_ =	sdelay $0x3  }
0x93: {  	_ =	strace s4  }
0x94: {  	s4 =	sld [smem:$0x3FFC];
	_ =	sdelay $0x3  }
0x95: {  	_ =	strace s4  }
0x96: {  	s4 =	sld [smem:$0x3FFD];
	_ =	sdelay $0x3  }
0x97: {  	_ =	strace s4  }
0x98: {  	_ =	strace $0x8FFFFFFF  }
0x99: {  	s19 =	sld [smem:$0x3FDB];
	_ =	sdelay $0x1  }
0x9a: {  	s5 =	simm.s32 $_scs_section_size  }
0x9b: {  	s6 =	simm.s32 $_size__tile_overlayer_lowered;
	s7 =	simm.s32 $_tile_overlayer_lowered  }
0x9c: {  	s22 =	simm.s32 $0x1BFF;
	s21 =	sshll.u32 s7, $0x1;
	s4 =	sadd.s32 s5, s19  }
0x9d: {  	s8 =	simm.s32 $0x0;
	s20 =	sshll.u32 s6, $0x1;
	s6 =	sadd.s32 s21, s4  }
0x9e: {  	[timem:s8], [sflag:s22] =	dma.local [hbm:s6], s20  }
0x9f: {  	_ =	swait.ge [sflag:s22], s20  }
0xa0: {  	s5 =	ssub.s32 $0x0, s20;
	[sflag:s22] =	ssyncset.done $0x0  }
0xa1: {  	[sflag:s22] =	ssyncadd.s32 s5;
	_ =	sdelay $0x1  }
0xa2: {  	s23 =	simm.s32 $0x1B8B  }
0xa3: {  	_ =	swait.ge [sflag:s23], $0x1  }
0xa4: {  	[sflag:s23] =	ssyncset.done $0x0  }
0xa5: {  	s25 =	simm.s32 $0x1B8E;
	s24 =	sld [smem:$0x3FFE];
	[sflag:s23] =	ssyncadd.s32 $0xFFFFFFFF  }
0xa6: {  	s26 =	simm.s32 $execute0_lowered;
	[smem:$0x3FD2] =	sst s25  }
0xa7: {  	s6 =	sshll.u32 s26, $0x1;
	_ =	strace $0x80000046;
	[dreg:$0x1] =	wrdreg $0xFFFFFFFF  }
0xa8: {  	s28 =	simm.s32 $_size_execute0_lowered;
	s4 =	sadd.s32 s4, s6;
	[dreg:$0x0] =	wrdreg $0x0  }
0xa9: {  	s6 =	sshll.u32 s28, $0x1;
	[dreg:$0x2] =	wrdreg s4  }
0xaa: {  	[dreg:$0x3] =	wrdreg s6  }
0xab: {  	[dreg:$0x4] =	wrdreg $0xC0  }
0xac: {  	_ =	task [dreg:s8], $0x5FFFF  }
0xad: {  	[dreg:$0x1] =	wrdreg $0xFFFFFFFF  }
0xae: {  	[dreg:$0x0] =	wrdreg $0x60  }
0xaf: {  	[dreg:$0x2] =	wrdreg s2  }
0xb0: {  	[dreg:$0x3] =	wrdreg s24  }
0xb1: {  	[dreg:$0x4] =	wrdreg s18  }
0xb2: {  	[dreg:$0x5] =	wrdreg $0x9  }
0xb3: {  	_ =	task.clear_ibuf [dreg:s8], $0x6FFFF;
	_ =	strace $0x90000046  }
0xb4: {  	s29 =	simm.s32 $0x9;
	_ =	strace $0x80000048  }
0xb5: {  	_ =	swait.ge [sflag:s29], $0x1  }
0xb6: {  	[sflag:s29] =	ssyncadd.s32 $0xFFFFFFFF  }
0xb7: {  	_ =	strace $0x90000048  }
0xb8: {  	_ =	sfence  }
0xb9: {  	s30 =	sld [smem:$0x0];
	_ =	sdelay $0x2  }
0xba: {  	s31 =	sshll.u32 s1, $0xD;
	s1 =	sshrl.u32 s1, $0x2  }
0xbb: {  	s3 =	sand.u32 $0x4000, s31;
	s1 =	sadd.s32 s1, s30  }
0xbc: {  	s0 =	sor.u32 s3, s0;
	s1 =	sshll.u32 s1, $0x11  }
0xbd: {  	s0 =	sor.u32 s1, s0  }
0xbe: {  	s0 =	sadd.s32 $0x8F2B, s0  }
0xbf: {  	[sflag:s0] =	ssyncadd.remote.s32 $0x1  }
0xc0: {  	_ =	sfence.sel $0xFFFF  }
0xc1: {  	[dreg:$0x0] =	wrdreg $0xFFFFFFFF;
	(pc) =	sbr.abs _section_cstart, $3  }
0xc2: {  	[dreg:$0x1] =	wrdreg $0xFFFFFFFF  }
0xc3: {  	_ =	task.clear_ibuf [dreg:s8], $0x2FFFF;
	_ =	strace $0x9FFFFFFF  }
0xc4: {  	(tm) =	ssettm $0x7FFFFFFF  }
0xc5: {  	_ =	shalt  }
tec
execute0_lowered:
.L_overlay_start_1:
0x0: {  	(tag) =	ssettag $0x1  }
0x1: {  	s1 =	rddreg [dreg:$0x0];
	s2 =	srdreg.scid  }
0x2: {  	s4 =	rddreg [dreg:$0x1];
	s0 =	stileid.u32;
	s3 =	simm.s32 $0x0  }
0x3: {  	s8 =	simm.s32 $0x80;
	s26 =	simm.s32 $0x880;
	s9 =	simm.s32 $0x1080  }
0x4: {  	s10 =	simm.s32 $0x1880;
	s11 =	simm.s32 $0x2080;
	s12 =	simm.s32 $0x2880  }
0x5: {  	s13 =	simm.s32 $0x3080;
	s14 =	simm.s32 $0x3880;
	s15 =	simm.s32 $0x4080  }
0x6: {  	s16 =	simm.s32 $0x4880;
	s17 =	simm.s32 $0x5080;
	s18 =	simm.s32 $0x5880  }
0x7: {  	s19 =	simm.s32 $0x6080;
	s20 =	simm.s32 $0x6880;
	s21 =	simm.s32 $0x7080  }
0x8: {  	s22 =	simm.s32 $0x7880;
	s23 =	simm.s32 $0x8080;
	s24 =	simm.s32 $0x8880  }
0x9: {  	s28 =	simm.s32 $0xA080;
	s29 =	simm.s32 $0xA880;
	s30 =	simm.s32 $0xB080  }
0xa: {  	s31 =	simm.s32 $0xB880;
	s5 =	sand.u32 $0x1, s2;
	s2 =	rddreg [dreg:$0x2]  }
0xb: {  	s6 =	sshll.u32 s0, $0x4;
	[smem:$0x7FF] =	sst s3;
	s7 =	sshll.u32 s5, $0x3  }
0xc: {  	_ =	strace $0x80000047;
	s5 =	ssub.s32 $0x2, s5;
	[dreg:$0x6] =	wrdreg s26  }
0xd: {  	s26 =	simm.s32 $0x9880;
	s6 =	sor.u32 s7, s6;
	s25 =	sshrl.u32 s5, $0x1  }
0xe: {  	s7 =	smul.u32 $0x300, s6;
	s4 =	sadd.s32 s4, s6;
	s6 =	ssub.s32 s5, s25  }
0xf: {  	v2 =	vlaneseq.u32;
	s5 =	sadd.s32 $0x200, s2;
	s25 =	simm.s32 $0x9080;
	[dreg:$0x4] =	wrdreg s4  }
0x10: {  	vm0 =	vmmov $0xffff;
	v1 =	vshrl.u32 v2, $0x3;
	s4 =	sadd.s32 $0x100, s2;
	s6 =	smax.u32 s6, $0x1;
	s1 =	sadd.s32 s1, s7  }
0x11: {  	v0 =	vand.u32 $0x7, v2;
	v2 =	vor.u32 $0x8, v2;
	v1 =	vmul.u32 $0x8, v1;
	s7 =	simm.s32 $0x2;
	[dreg:$0x5] =	wrdreg s1;
	s1 =	simm.s32 $0x1  }
.LBB2_1:
0x12: {  	s0 =	rddreg [dreg:$0x4]  }
0x13: {  	[tilespmem:s3], [sflag:$0x2] =	stream.linear.gather [hbm4b:s0+s3], $0x40, $0x38;
	[tilespmem:$0xC080] =	vst v63  }
0x14: {  	_ =	swait.ge [sflag:s7], $0x40  }
0x15: {  	[sflag:s7] =	ssyncset.done $0x0  }
0x16: {  	s0 =	rddreg [dreg:$0x5];
	[sflag:s7] =	ssyncadd.s32 $0xFFFFFFC0  }
0x17: {  	[tilespmem:s8], [sflag:$0x2] =	stream.linear.gather [hbm4b:s0+s3], $0xC000, $0x38;
	[tilespmem:$0xC080] =	vst v63  }
0x18: {  	_ =	swait.ge [sflag:s7], $0xC000  }
0x19: {  	[sflag:s7] =	ssyncset.done $0x0  }
0x1a: {  	[sflag:s7] =	ssyncadd.s32 $0xFFFF4000  }
0x1b: {  	v3 =	vld [tilespmem:$0x0];
	_ =	sdelay $0x4  }
0x1c: {  	v4 =	vshrl.u32 v3, $0x3  }
0x1d: {  	v4 =	vmul.u32 $0x30, v4  }
0x1e: {  	v3 =	vand.u32 $0x7, v3  }
0x1f: {  	v3 =	vor.u32 v3, v4  }
0x20: {  	v4 =	vperm.xlane v3, v0;
	_ =	sdelay $0x1  }
0x21: {  	v4 =	vadd.s32 v1, v4;
	_ =	sdelay $0x3  }
0x22: {  	v3 =	vperm.xlane v3, v2  }
0x23: {  	[hbm4b:s2+s3] =	stream.indirect_vreg.scatter [tilespmem:s8], [sflag:$0x1], $0x80, v4, vm0, $0xb8;
	[tilespmem:$0xC080] =	vst v63  }
0x24: {  	s0 =	rddreg [dreg:$0x6];
	v3 =	vadd.s32 v1, v3  }
0x25: {  	[hbm4b:s4+s3] =	stream.indirect_vreg.scatter [tilespmem:s0], [sflag:$0x1], $0x80, v4, vm0, $0xb8;
	[tilespmem:$0xC080] =	vst v63  }
0x26: {  	_ = 	snop  }
0x27: {  	[hbm4b:s5+s3] =	stream.indirect_vreg.scatter [tilespmem:s9], [sflag:$0x1], $0x80, v4, vm0, $0xb8;
	[tilespmem:$0xC080] =	vst v63  }
0x28: {  	_ = 	snop  }
0x29: {  	[hbm4b:s2+s3] =	stream.indirect_vreg.scatter [tilespmem:s10], [sflag:$0x1], $0x80, v3, vm0, $0xb8;
	[tilespmem:$0xC080] =	vst v63  }
0x2a: {  	_ = 	snop  }
0x2b: {  	[hbm4b:s4+s3] =	stream.indirect_vreg.scatter [tilespmem:s11], [sflag:$0x1], $0x80, v3, vm0, $0xb8;
	[tilespmem:$0xC080] =	vst v63  }
0x2c: {  	_ = 	snop  }
0x2d: {  	[hbm4b:s5+s3] =	stream.indirect_vreg.scatter [tilespmem:s12], [sflag:$0x1], $0x80, v3, vm0, $0xb8;
	[tilespmem:$0xC080] =	vst v63  }
0x2e: {  	v3 =	vld [tilespmem:$0x10];
	_ =	sdelay $0x4  }
0x2f: {  	v61 =	vshrl.u32 v3, $0x3  }
0x30: {  	v4 =	vmul.u32 $0x30, v61  }
0x31: {  	v3 =	vand.u32 $0x7, v3  }
0x32: {  	v3 =	vor.u32 v3, v4  }
0x33: {  	v4 =	vperm.xlane v3, v0;
	_ =	sdelay $0x1  }
0x34: {  	v4 =	vadd.s32 v1, v4;
	_ =	sdelay $0x3  }
0x35: {  	v3 =	vperm.xlane v3, v2  }
0x36: {  	[hbm4b:s2+s3] =	stream.indirect_vreg.scatter [tilespmem:s13], [sflag:$0x1], $0x80, v4, vm0, $0xb8;
	[tilespmem:$0xC080] =	vst v63  }
0x37: {  	v3 =	vadd.s32 v1, v3  }
0x38: {  	[hbm4b:s4+s3] =	stream.indirect_vreg.scatter [tilespmem:s14], [sflag:$0x1], $0x80, v4, vm0, $0xb8;
	[tilespmem:$0xC080] =	vst v63  }
0x39: {  	_ = 	snop  }
0x3a: {  	[hbm4b:s5+s3] =	stream.indirect_vreg.scatter [tilespmem:s15], [sflag:$0x1], $0x80, v4, vm0, $0xb8;
	[tilespmem:$0xC080] =	vst v63  }
0x3b: {  	_ = 	snop  }
0x3c: {  	[hbm4b:s2+s3] =	stream.indirect_vreg.scatter [tilespmem:s16], [sflag:$0x1], $0x80, v3, vm0, $0xb8;
	[tilespmem:$0xC080] =	vst v63  }
0x3d: {  	_ = 	snop  }
0x3e: {  	[hbm4b:s4+s3] =	stream.indirect_vreg.scatter [tilespmem:s17], [sflag:$0x1], $0x80, v3, vm0, $0xb8;
	[tilespmem:$0xC080] =	vst v63  }
0x3f: {  	_ = 	snop  }
0x40: {  	[hbm4b:s5+s3] =	stream.indirect_vreg.scatter [tilespmem:s18], [sflag:$0x1], $0x80, v3, vm0, $0xb8;
	[tilespmem:$0xC080] =	vst v63  }
0x41: {  	v3 =	vld [tilespmem:$0x20];
	_ =	sdelay $0x4  }
0x42: {  	v62 =	vshrl.u32 v3, $0x3  }
0x43: {  	v4 =	vmul.u32 $0x30, v62  }
0x44: {  	v3 =	vand.u32 $0x7, v3  }
0x45: {  	v3 =	vor.u32 v3, v4  }
0x46: {  	v4 =	vperm.xlane v3, v0;
	_ =	sdelay $0x1  }
0x47: {  	v4 =	vadd.s32 v1, v4;
	_ =	sdelay $0x3  }
0x48: {  	v3 =	vperm.xlane v3, v2  }
0x49: {  	[hbm4b:s2+s3] =	stream.indirect_vreg.scatter [tilespmem:s19], [sflag:$0x1], $0x80, v4, vm0, $0xb8;
	[tilespmem:$0xC080] =	vst v63  }
0x4a: {  	v3 =	vadd.s32 v1, v3  }
0x4b: {  	[hbm4b:s4+s3] =	stream.indirect_vreg.scatter [tilespmem:s20], [sflag:$0x1], $0x80, v4, vm0, $0xb8;
	[tilespmem:$0xC080] =	vst v63  }
0x4c: {  	_ = 	snop  }
0x4d: {  	[hbm4b:s5+s3] =	stream.indirect_vreg.scatter [tilespmem:s21], [sflag:$0x1], $0x80, v4, vm0, $0xb8;
	[tilespmem:$0xC080] =	vst v63  }
0x4e: {  	_ = 	snop  }
0x4f: {  	[hbm4b:s2+s3] =	stream.indirect_vreg.scatter [tilespmem:s22], [sflag:$0x1], $0x80, v3, vm0, $0xb8;
	[tilespmem:$0xC080] =	vst v63  }
0x50: {  	_ = 	snop  }
0x51: {  	[hbm4b:s4+s3] =	stream.indirect_vreg.scatter [tilespmem:s23], [sflag:$0x1], $0x80, v3, vm0, $0xb8;
	[tilespmem:$0xC080] =	vst v63  }
0x52: {  	_ = 	snop  }
0x53: {  	[hbm4b:s5+s3] =	stream.indirect_vreg.scatter [tilespmem:s24], [sflag:$0x1], $0x80, v3, vm0, $0xb8;
	[tilespmem:$0xC080] =	vst v63  }
0x54: {  	v3 =	vld [tilespmem:$0x30];
	_ =	sdelay $0x4  }
0x55: {  	v63 =	vshrl.u32 v3, $0x3  }
0x56: {  	v4 =	vmul.u32 $0x30, v63  }
0x57: {  	v3 =	vand.u32 $0x7, v3  }
0x58: {  	v3 =	vor.u32 v3, v4  }
0x59: {  	v4 =	vperm.xlane v3, v0;
	_ =	sdelay $0x1  }
0x5a: {  	v4 =	vadd.s32 v1, v4;
	_ =	sdelay $0x3  }
0x5b: {  	v3 =	vperm.xlane v3, v2  }
0x5c: {  	[hbm4b:s2+s3] =	stream.indirect_vreg.scatter [tilespmem:s25], [sflag:$0x1], $0x80, v4, vm0, $0xb8;
	[tilespmem:$0xC080] =	vst v63  }
0x5d: {  	v3 =	vadd.s32 v1, v3  }
0x5e: {  	[hbm4b:s4+s3] =	stream.indirect_vreg.scatter [tilespmem:s26], [sflag:$0x1], $0x80, v4, vm0, $0xb8;
	[tilespmem:$0xC080] =	vst v63  }
0x5f: {  	_ = 	snop  }
0x60: {  	[hbm4b:s5+s3] =	stream.indirect_vreg.scatter [tilespmem:s28], [sflag:$0x1], $0x80, v4, vm0, $0xb8;
	[tilespmem:$0xC080] =	vst v63  }
0x61: {  	_ = 	snop  }
0x62: {  	[hbm4b:s2+s3] =	stream.indirect_vreg.scatter [tilespmem:s29], [sflag:$0x1], $0x80, v3, vm0, $0xb8;
	[tilespmem:$0xC080] =	vst v63  }
0x63: {  	p0 =	sne.s32 s6, $0x1  }
0x64: {  	[hbm4b:s4+s3] =	stream.indirect_vreg.scatter [tilespmem:s30], [sflag:$0x1], $0x80, v3, vm0, $0xb8;
	[tilespmem:$0xC080] =	vst v63  }
.Ltmp0:
0x65: {  	_ = 	snop;
	(pc) =	sbr.rel @p0 .LBB2_1-.Ltmp0, $4  }
0x66: {  	[hbm4b:s5+s3] =	stream.indirect_vreg.scatter [tilespmem:s31], [sflag:$0x1], $0x80, v3, vm0, $0xb8;
	[tilespmem:$0xC080] =	vst v63  }
0x67: {  	_ =	swait.ge [sflag:s1], $0xC000  }
0x68: {  	[sflag:s1] =	ssyncset.done $0x0  }
0x69: {  	s6 =	sadd.s32 $0xFFFFFFFF, s6;
	[sflag:s1] =	ssyncadd.s32 $0xFFFF4000  }
0x6a: {  	_ =	sfence.sel $0x180000  }
0x6b: {  	[bflag:$0x0] =	sbarrier.arrive $0xFFFF  }
0x6c: {  	_ =	strace $0x90000047  }
0x6d: {  	s0 =	stileid.u32;
	[bflag:$0x2] =	sbarrier.arrive $0xFFFF  }
0x6e: {  	p0 =	sne.s32 s0, $0x0;
	s0 =	rddreg [dreg:$0x3]  }
0x6f: {  	s0 =	sadd.s32 @!p0 $0x100000, s0  }
0x70: {  	[sflag:s0] =	ssyncadd.tile.s32 @!p0 $0x1;
	_ =	shalt  }
.Lfunc_end2:
_tile_overlayer_lowered:
.L_overlay_start_2:
0x71: {  	(tag) =	ssettag $0x2  }
0x72: {  	s0 =	rddreg [dreg:$0x0];
	s2 =	stileid.u32  }
0x73: {  	s1 =	rddreg [dreg:$0x1];
	p0 =	sne.s32 s2, $0x0  }
0x74: {  	s3 =	rddreg [dreg:$0x2];
	[bflag:$0x3] =	sbarrier.arrive $0xFFFF;
	s2 =	simm.s32 @!p0 $0x1C02  }
0x75: {  	[timem:s3], [sflag:s2] =	dma.local @!p0 [hbm:s0], s1  }
0x76: {  	s0 =	simm.s32 @!p0 $0x2  }
0x77: {  	_ =	swait.ge @!p0 [sflag:s0], s1  }
0x78: {  	s1 =	ssub.s32 @!p0 $0x0, s1;
	[sflag:s0] =	ssyncset.done @!p0 $0x0  }
0x79: {  	[sflag:s0] =	ssyncadd.s32 @!p0 s1  }
0x7a: {  	[bflag:$0x3] =	sbarrier.arrive $0xFFFF  }
0x7b: {  	_ =	shalt  }

// kernel: kernel.8.cloned.1.call-start
scs
__scs_entry_jumppad:
0x0: {  	(pc) =	sbr.rel $0x88, $3  }
0x1: {  	(tag) =	ssettag $0x0;
	lr =	simm.s32 $0x1  }
0x2: {  	[smem:$0x3F9B] =	sst lr;
	_ =	strace $0xD0000000  }
0x3: {  	_ = 	snop  }
0x4: {  	_ = 	snop  }
0x5: {  	_ = 	snop  }
0x6: {  	_ = 	snop  }
0x7: {  	_ = 	snop  }
__scs_overlays_trampoline_lowered:
0x8: {  	[smem:$0x3FAA] =	sst s0  }
0x9: {  	[smem:$0x3FAB] =	sst s1  }
0xa: {  	[smem:$0x3FAC] =	sst s2  }
0xb: {  	[smem:$0x3FAD] =	sst s3  }
0xc: {  	[smem:$0x3FAE] =	sst s4  }
0xd: {  	[smem:$0x3FAF] =	sst s5  }
0xe: {  	[smem:$0x3FB0] =	sst s6  }
0xf: {  	[smem:$0x3FB1] =	sst s7  }
0x10: {  	[smem:$0x3FB2] =	sst s8  }
0x11: {  	[smem:$0x3FB3] =	sst s9;
	s0 =	simm.s32 @!p0 $0x0  }
0x12: {  	s1 =	sld [smem:$0x3F99];
	s0 =	simm.s32 @p0 $0x1  }
0x13: {  	[smem:$0x3FB4] =	sst s0;
	s0 =	simm.s32 @!p1 $0x0  }
0x14: {  	s2 =	sld [smem:$0x3F98];
	s0 =	simm.s32 @p1 $0x1  }
0x15: {  	[smem:$0x3FB5] =	sst s0;
	s0 =	simm.s32 @!p2 $0x0  }
0x16: {  	s3 =	sld [smem:$0x3FDB];
	s0 =	simm.s32 @p2 $0x1  }
0x17: {  	s4 =	simm.s32 $0x1BF5;
	[smem:$0x3FB7] =	sst s0  }
0x18: {  	s0 =	sld [smem:$0x3F9A];
	_ =	swait.ge [sflag:s4], $0x0  }
0x19: {  	s7 =	sld [smem:$0x3F9B]  }
0x1a: {  	s8 =	sadd.s32 $0xFFFFE003, lr  }
0x1b: {  	s9 =	sadd.s32 $0xFFFFFEF7, lr;
	s5 =	simm.s32 $0xFFFFFFFF;
	p2 =	slt.u32 s8, $0xFFFFF086  }
0x1c: {  	p1 =	slt.u32 s9, $0xF7A;
	s5 =	simm.s32 @!p2 $0x0  }
0x1d: {  	s5 =	simm.s32 @p1 $0x1;
	p0 =	seq.s32 s7, s2  }
0x1e: {  	s7 =	smul.u32 @!p0 $0xF7A, s2;
	p2 =	seq.s32 @!p0 s5, $0x0  }
0x1f: {  	s9 =	smul.u32 $0xF7A, s1;
	s8 =	simm.s32 @!p0 $0x1BF5;
	p2 =	por !p2, p0  }
0x20: {  	[sflag:s8] =	ssyncset.s32 @!p0 $0xFFFFF086;
	s6 =	sadd.s32 @!p0 s3, s7;
	s7 =	simm.s32 @!p0 $0x108  }
0x21: {  	s3 =	sadd.s32 s3, s9;
	s6 =	sadd.s32 @!p0 $0x88, s6;
	s7 =	simm.s32 @p2 $0x1082  }
0x22: {  	[simem:s7], [sflag:s8] =	dma.local @!p0 [hbm:s6], $0xF7A  }
0x23: {  	s9 =	sor.u32 $0xD0000000, s2;
	s6 =	simm.s32 $0x108;
	_ =	swait.ge @!p0 [sflag:s8], $0x0  }
0x24: {  	s3 =	sadd.s32 $0x88, s3;
	s6 =	simm.s32 @!p1 $0x1082;
	[sflag:s4] =	ssyncset.s32 $0xFFFFF086  }
0x25: {  	[simem:s6], [sflag:s4] =	dma.local [hbm:s3], $0xF7A  }
0x26: {  	[smem:$0x3F9B] =	sst s1;
	(tag) =	ssettag s2;
	_ =	strace s9  }
0x27: {  	s1 =	sld [smem:$0x3FAB]  }
0x28: {  	s2 =	sld [smem:$0x3FAC]  }
0x29: {  	s4 =	sld [smem:$0x3FAE]  }
0x2a: {  	p0 =	seq.s32 s5, $0x0;
	s5 =	sld [smem:$0x3FAF]  }
0x2b: {  	s6 =	sld [smem:$0x3FB0]  }
0x2c: {  	s7 =	sld [smem:$0x3FB1]  }
0x2d: {  	s3 =	simm.s32 $0x108;
	s8 =	sld [smem:$0x3FB2]  }
0x2e: {  	s3 =	simm.s32 @!p0 $0x1082;
	s9 =	sld [smem:$0x3FB3]  }
0x2f: {  	lr =	sadd.s32 s0, s3;
	s0 =	sld [smem:$0x3FAA]  }
0x30: {  	s3 =	sld [smem:$0x3FAD]  }
0x31: {  	[smem:$0x3FB6] =	sst s10  }
0x32: {  	s10 =	sld [smem:$0x3FB4];
	_ =	sdelay $0x3  }
0x33: {  	p0 =	seq.s32 s10, $0x1;
	s10 =	sld [smem:$0x3FB6];
	_ =	sdelay $0x3  }
0x34: {  	[smem:$0x3FB6] =	sst s10  }
0x35: {  	s10 =	sld [smem:$0x3FB5];
	_ =	sdelay $0x3  }
0x36: {  	p1 =	seq.s32 s10, $0x1;
	s10 =	sld [smem:$0x3FB6];
	_ =	sdelay $0x3  }
0x37: {  	[smem:$0x3FB6] =	sst s10  }
0x38: {  	s10 =	sld [smem:$0x3FB7]  }
0x39: {  	_ = 	snop;
	(pc) =	sbr.ind lr, $3  }
0x3a: {  	_ = 	snop  }
0x3b: {  	_ = 	snop  }
0x3c: {  	p2 =	seq.s32 s10, $0x1;
	s10 =	sld [smem:$0x3FB6]  }
0x3d: {  	_ =	shalt  }
0x3e: {  	_ =	shalt  }
0x3f: {  	_ =	shalt  }
0x40: {  	_ =	shalt  }
0x41: {  	_ =	shalt  }
0x42: {  	_ =	shalt  }
0x43: {  	_ =	shalt  }
0x44: {  	_ =	shalt  }
0x45: {  	_ =	shalt  }
0x46: {  	_ =	shalt  }
0x47: {  	_ =	shalt  }
0x48: {  	_ =	shalt  }
0x49: {  	_ =	shalt  }
0x4a: {  	_ =	shalt  }
0x4b: {  	_ =	shalt  }
0x4c: {  	_ =	shalt  }
0x4d: {  	_ =	shalt  }
0x4e: {  	_ =	shalt  }
0x4f: {  	_ =	shalt  }
0x50: {  	_ =	shalt  }
0x51: {  	_ =	shalt  }
0x52: {  	_ =	shalt  }
0x53: {  	_ =	shalt  }
0x54: {  	_ =	shalt  }
0x55: {  	_ =	shalt  }
0x56: {  	_ =	shalt  }
0x57: {  	_ =	shalt  }
0x58: {  	_ =	shalt  }
0x59: {  	_ =	shalt  }
0x5a: {  	_ =	shalt  }
0x5b: {  	_ =	shalt  }
0x5c: {  	_ =	shalt  }
0x5d: {  	_ =	shalt  }
0x5e: {  	_ =	shalt  }
0x5f: {  	_ =	shalt  }
0x60: {  	_ =	shalt  }
0x61: {  	_ =	shalt  }
0x62: {  	_ =	shalt  }
0x63: {  	_ =	shalt  }
0x64: {  	_ =	shalt  }
0x65: {  	_ =	shalt  }
0x66: {  	_ =	shalt  }
0x67: {  	_ =	shalt  }
0x68: {  	_ =	shalt  }
0x69: {  	_ =	shalt  }
0x6a: {  	_ =	shalt  }
0x6b: {  	_ =	shalt  }
0x6c: {  	_ =	shalt  }
0x6d: {  	_ =	shalt  }
0x6e: {  	_ =	shalt  }
0x6f: {  	_ =	shalt  }
0x70: {  	_ =	shalt  }
0x71: {  	_ =	shalt  }
0x72: {  	_ =	shalt  }
0x73: {  	_ =	shalt  }
0x74: {  	_ =	shalt  }
0x75: {  	_ =	shalt  }
0x76: {  	_ =	shalt  }
0x77: {  	_ =	shalt  }
0x78: {  	_ =	shalt  }
0x79: {  	_ =	shalt  }
0x7a: {  	_ =	shalt  }
0x7b: {  	_ =	shalt  }
0x7c: {  	_ =	shalt  }
0x7d: {  	_ =	shalt  }
0x7e: {  	_ =	shalt  }
0x7f: {  	_ =	shalt  }
0x80: {  	_ =	shalt  }
0x81: {  	_ =	shalt  }
0x82: {  	_ =	shalt  }
0x83: {  	_ =	shalt  }
0x84: {  	_ =	shalt  }
0x85: {  	_ =	shalt  }
0x86: {  	_ =	shalt  }
0x87: {  	_ =	shalt  }
.Lfunc_end0:
.L_simem_size_0:
called_computation.1_lowered:
.L_overlay_start_0:
0x88: {  	s2 =	sld [smem:$0x3FD9]  }
0x89: {  	s3 =	sld [smem:$0x3FFE];
	_ =	sdelay $0x1  }
0x8a: {  	s1 =	srdreg.scid  }
0x8b: {  	s0 =	sand.u32 $0x1, s1  }
0x8c: {  	s17 =	sshll.u32 s0, $0xA;
	s2 =	sadd.s32 s3, s2  }
0x8d: {  	s2 =	sadd.s32 s2, s17  }
0x8e: {  	[smem:$0x3FC2] =	sst s2  }
0x8f: {  	_ = 	snop  }
0x90: {  	s2 =	sld [smem:$0x3FD0];
	(tm) =	ssettm $0x1  }
0x91: {  	s18 =	sld [smem:$0x3FFB];
	_ =	sdelay $0x3  }
0x92: {  	_ =	strace s18  }
0x93: {  	s3 =	sld [smem:$0x3FFC];
	_ =	sdelay $0x3  }
0x94: {  	_ =	strace s3  }
0x95: {  	s3 =	sld [smem:$0x3FFD];
	_ =	sdelay $0x3  }
0x96: {  	_ =	strace s3  }
0x97: {  	_ =	strace $0x8FFFFFFF  }
0x98: {  	s19 =	sld [smem:$0x3FDB];
	_ =	sdelay $0x1  }
0x99: {  	s4 =	simm.s32 $_scs_section_size  }
0x9a: {  	s5 =	simm.s32 $_size__tile_overlayer_lowered;
	s6 =	simm.s32 $_tile_overlayer_lowered  }
0x9b: {  	s22 =	simm.s32 $0x1BFF;
	s21 =	sshll.u32 s6, $0x1;
	s3 =	sadd.s32 s4, s19  }
0x9c: {  	s7 =	simm.s32 $0x0;
	s20 =	sshll.u32 s5, $0x1;
	s5 =	sadd.s32 s21, s3  }
0x9d: {  	[timem:s7], [sflag:s22] =	dma.local [hbm:s5], s20  }
0x9e: {  	_ =	swait.ge [sflag:s22], s20  }
0x9f: {  	s4 =	ssub.s32 $0x0, s20;
	[sflag:s22] =	ssyncset.done $0x0  }
0xa0: {  	[sflag:s22] =	ssyncadd.s32 s4;
	_ =	sdelay $0x1  }
0xa1: {  	s23 =	simm.s32 $0x1B8B  }
0xa2: {  	_ =	swait.ge [sflag:s23], $0x1  }
0xa3: {  	[sflag:s23] =	ssyncset.done $0x0  }
0xa4: {  	s25 =	simm.s32 $0x1B8E;
	s24 =	sld [smem:$0x3FFE];
	[sflag:s23] =	ssyncadd.s32 $0xFFFFFFFF  }
0xa5: {  	s26 =	simm.s32 $execute0_lowered;
	[smem:$0x3FD2] =	sst s25  }
0xa6: {  	s5 =	sshll.u32 s26, $0x1;
	_ =	strace $0x80000049;
	[dreg:$0x1] =	wrdreg $0xFFFFFFFF  }
0xa7: {  	s28 =	simm.s32 $_size_execute0_lowered;
	s3 =	sadd.s32 s3, s5;
	[dreg:$0x0] =	wrdreg $0x0  }
0xa8: {  	s5 =	sshll.u32 s28, $0x1;
	[dreg:$0x2] =	wrdreg s3  }
0xa9: {  	[dreg:$0x3] =	wrdreg s5  }
0xaa: {  	[dreg:$0x4] =	wrdreg $0xC0  }
0xab: {  	_ =	task [dreg:s7], $0x5FFFF  }
0xac: {  	[dreg:$0x1] =	wrdreg $0xFFFFFFFF  }
0xad: {  	[dreg:$0x0] =	wrdreg $0x60  }
0xae: {  	[dreg:$0x2] =	wrdreg s2  }
0xaf: {  	[dreg:$0x3] =	wrdreg s24  }
0xb0: {  	[dreg:$0x4] =	wrdreg $0x9  }
0xb1: {  	_ =	task.clear_ibuf [dreg:s7], $0x5FFFF;
	_ =	strace $0x90000049  }
0xb2: {  	s29 =	simm.s32 $0x9;
	_ =	strace $0x8000004B  }
0xb3: {  	_ =	swait.ge [sflag:s29], $0x1  }
0xb4: {  	[sflag:s29] =	ssyncadd.s32 $0xFFFFFFFF  }
0xb5: {  	_ =	strace $0x9000004B  }
0xb6: {  	_ =	sfence  }
0xb7: {  	s30 =	sld [smem:$0x0];
	_ =	sdelay $0x2  }
0xb8: {  	s31 =	sshll.u32 s1, $0xD;
	s1 =	sshrl.u32 s1, $0x2  }
0xb9: {  	s3 =	sand.u32 $0x4000, s31;
	s1 =	sadd.s32 s1, s30  }
0xba: {  	s0 =	sor.u32 s3, s0;
	s1 =	sshll.u32 s1, $0x11  }
0xbb: {  	s0 =	sor.u32 s1, s0  }
0xbc: {  	s0 =	sadd.s32 $0x8F2B, s0  }
0xbd: {  	[sflag:s0] =	ssyncadd.remote.s32 $0x1  }
0xbe: {  	_ =	sfence.sel $0xFFFF  }
0xbf: {  	[dreg:$0x0] =	wrdreg $0xFFFFFFFF;
	(pc) =	sbr.abs _section_cstart, $3  }
0xc0: {  	[dreg:$0x1] =	wrdreg $0xFFFFFFFF  }
0xc1: {  	_ =	task.clear_ibuf [dreg:s7], $0x2FFFF;
	_ =	strace $0x9FFFFFFF  }
0xc2: {  	(tm) =	ssettm $0x7FFFFFFF  }
0xc3: {  	_ =	shalt  }
tec
execute0_lowered:
.L_overlay_start_1:
0x0: {  	(tag) =	ssettag $0x1  }
0x1: {  	s1 =	srdreg.scid;
	s2 =	rddreg [dreg:$0x0]  }
0x2: {  	s0 =	stileid.u32;
	s4 =	rddreg [dreg:$0x1];
	s3 =	simm.s32 $0x0  }
0x3: {  	s8 =	simm.s32 $0x80;
	s26 =	simm.s32 $0x880;
	s9 =	simm.s32 $0x1080  }
0x4: {  	s10 =	simm.s32 $0x1880;
	s11 =	simm.s32 $0x2080;
	s12 =	simm.s32 $0x2880  }
0x5: {  	s13 =	simm.s32 $0x3080;
	s14 =	simm.s32 $0x3880;
	s15 =	simm.s32 $0x4080  }
0x6: {  	s16 =	simm.s32 $0x4880;
	s17 =	simm.s32 $0x5080;
	s18 =	simm.s32 $0x5880  }
0x7: {  	s19 =	simm.s32 $0x6080;
	s20 =	simm.s32 $0x6880;
	s21 =	simm.s32 $0x7080  }
0x8: {  	s22 =	simm.s32 $0x7880;
	s23 =	simm.s32 $0x8080;
	s24 =	simm.s32 $0x8880  }
0x9: {  	s25 =	simm.s32 $0x9080;
	s28 =	simm.s32 $0xA080;
	s29 =	simm.s32 $0xA880  }
0xa: {  	s30 =	simm.s32 $0xB080;
	s31 =	simm.s32 $0xB880;
	s1 =	sand.u32 $0x1, s1  }
0xb: {  	s5 =	sshll.u32 s0, $0x4;
	[smem:$0x7FF] =	sst s3;
	s6 =	sshll.u32 s1, $0x3  }
0xc: {  	s1 =	ssub.s32 $0x2, s1;
	_ =	strace $0x8000004A;
	s5 =	sor.u32 s6, s5  }
0xd: {  	[dreg:$0x5] =	wrdreg s26;
	s7 =	sshrl.u32 s1, $0x1;
	s6 =	smul.u32 $0x300, s5  }
0xe: {  	s26 =	simm.s32 $0x9880;
	s1 =	ssub.s32 s1, s7;
	s7 =	simm.s32 $0x2  }
0xf: {  	v2 =	vlaneseq.u32;
	s6 =	sadd.s32 s6, s4;
	s4 =	sadd.s32 s4, s5;
	s5 =	sadd.s32 $0x200, s2  }
0x10: {  	vm0 =	vmmov $0xffff;
	v1 =	vshrl.u32 v2, $0x3;
	[dreg:$0x3] =	wrdreg s4;
	s4 =	sadd.s32 $0x100, s2;
	s6 =	sadd.s32 $0x200, s6  }
0x11: {  	v0 =	vand.u32 $0x7, v2;
	v2 =	vor.u32 $0x8, v2;
	v1 =	vmul.u32 $0x8, v1;
	[dreg:$0x4] =	wrdreg s6;
	s6 =	smax.u32 s1, $0x1;
	s1 =	simm.s32 $0x1  }
.LBB2_1:
0x12: {  	s0 =	rddreg [dreg:$0x3]  }
0x13: {  	[tilespmem:s3], [sflag:$0x2] =	stream.linear.gather [hbm4b:s0+s3], $0x40, $0x38;
	[tilespmem:$0xC080] =	vst v63  }
0x14: {  	_ =	swait.ge [sflag:s7], $0x40  }
0x15: {  	[sflag:s7] =	ssyncset.done $0x0  }
0x16: {  	[sflag:s7] =	ssyncadd.s32 $0xFFFFFFC0  }
0x17: {  	v3 =	vld [tilespmem:$0x0];
	_ =	sdelay $0x4  }
0x18: {  	v4 =	vshrl.u32 v3, $0x3  }
0x19: {  	v4 =	vmul.u32 $0x30, v4  }
0x1a: {  	v3 =	vand.u32 $0x7, v3  }
0x1b: {  	v3 =	vor.u32 v3, v4  }
0x1c: {  	v4 =	vperm.xlane v3, v0;
	_ =	sdelay $0x1  }
0x1d: {  	v4 =	vadd.s32 v1, v4;
	_ =	sdelay $0x3  }
0x1e: {  	v3 =	vperm.xlane v3, v2  }
0x1f: {  	[tilespmem:s8], [sflag:$0x1] =	stream.indirect_vreg.gather [hbm4b:s2+s3], $0x80, v4, vm0, $0xb8;
	[tilespmem:$0xC080] =	vst v63  }
0x20: {  	s0 =	rddreg [dreg:$0x5];
	v3 =	vadd.s32 v1, v3  }
0x21: {  	[tilespmem:s0], [sflag:$0x1] =	stream.indirect_vreg.gather [hbm4b:s4+s3], $0x80, v4, vm0, $0xb8;
	[tilespmem:$0xC080] =	vst v63  }
0x22: {  	_ = 	snop  }
0x23: {  	[tilespmem:s9], [sflag:$0x1] =	stream.indirect_vreg.gather [hbm4b:s5+s3], $0x80, v4, vm0, $0xb8;
	[tilespmem:$0xC080] =	vst v63  }
0x24: {  	_ = 	snop  }
0x25: {  	[tilespmem:s10], [sflag:$0x1] =	stream.indirect_vreg.gather [hbm4b:s2+s3], $0x80, v3, vm0, $0xb8;
	[tilespmem:$0xC080] =	vst v63  }
0x26: {  	_ = 	snop  }
0x27: {  	[tilespmem:s11], [sflag:$0x1] =	stream.indirect_vreg.gather [hbm4b:s4+s3], $0x80, v3, vm0, $0xb8;
	[tilespmem:$0xC080] =	vst v63  }
0x28: {  	_ = 	snop  }
0x29: {  	[tilespmem:s12], [sflag:$0x1] =	stream.indirect_vreg.gather [hbm4b:s5+s3], $0x80, v3, vm0, $0xb8;
	[tilespmem:$0xC080] =	vst v63  }
0x2a: {  	v3 =	vld [tilespmem:$0x10];
	_ =	sdelay $0x4  }
0x2b: {  	v61 =	vshrl.u32 v3, $0x3  }
0x2c: {  	v4 =	vmul.u32 $0x30, v61  }
0x2d: {  	v3 =	vand.u32 $0x7, v3  }
0x2e: {  	v3 =	vor.u32 v3, v4  }
0x2f: {  	v4 =	vperm.xlane v3, v0;
	_ =	sdelay $0x1  }
0x30: {  	v4 =	vadd.s32 v1, v4;
	_ =	sdelay $0x3  }
0x31: {  	v3 =	vperm.xlane v3, v2  }
0x32: {  	[tilespmem:s13], [sflag:$0x1] =	stream.indirect_vreg.gather [hbm4b:s2+s3], $0x80, v4, vm0, $0xb8;
	[tilespmem:$0xC080] =	vst v63  }
0x33: {  	v3 =	vadd.s32 v1, v3  }
0x34: {  	[tilespmem:s14], [sflag:$0x1] =	stream.indirect_vreg.gather [hbm4b:s4+s3], $0x80, v4, vm0, $0xb8;
	[tilespmem:$0xC080] =	vst v63  }
0x35: {  	_ = 	snop  }
0x36: {  	[tilespmem:s15], [sflag:$0x1] =	stream.indirect_vreg.gather [hbm4b:s5+s3], $0x80, v4, vm0, $0xb8;
	[tilespmem:$0xC080] =	vst v63  }
0x37: {  	_ = 	snop  }
0x38: {  	[tilespmem:s16], [sflag:$0x1] =	stream.indirect_vreg.gather [hbm4b:s2+s3], $0x80, v3, vm0, $0xb8;
	[tilespmem:$0xC080] =	vst v63  }
0x39: {  	_ = 	snop  }
0x3a: {  	[tilespmem:s17], [sflag:$0x1] =	stream.indirect_vreg.gather [hbm4b:s4+s3], $0x80, v3, vm0, $0xb8;
	[tilespmem:$0xC080] =	vst v63  }
0x3b: {  	_ = 	snop  }
0x3c: {  	[tilespmem:s18], [sflag:$0x1] =	stream.indirect_vreg.gather [hbm4b:s5+s3], $0x80, v3, vm0, $0xb8;
	[tilespmem:$0xC080] =	vst v63  }
0x3d: {  	v3 =	vld [tilespmem:$0x20];
	_ =	sdelay $0x4  }
0x3e: {  	v62 =	vshrl.u32 v3, $0x3  }
0x3f: {  	v4 =	vmul.u32 $0x30, v62  }
0x40: {  	v3 =	vand.u32 $0x7, v3  }
0x41: {  	v3 =	vor.u32 v3, v4  }
0x42: {  	v4 =	vperm.xlane v3, v0;
	_ =	sdelay $0x1  }
0x43: {  	v4 =	vadd.s32 v1, v4;
	_ =	sdelay $0x3  }
0x44: {  	v3 =	vperm.xlane v3, v2  }
0x45: {  	[tilespmem:s19], [sflag:$0x1] =	stream.indirect_vreg.gather [hbm4b:s2+s3], $0x80, v4, vm0, $0xb8;
	[tilespmem:$0xC080] =	vst v63  }
0x46: {  	v3 =	vadd.s32 v1, v3  }
0x47: {  	[tilespmem:s20], [sflag:$0x1] =	stream.indirect_vreg.gather [hbm4b:s4+s3], $0x80, v4, vm0, $0xb8;
	[tilespmem:$0xC080] =	vst v63  }
0x48: {  	_ = 	snop  }
0x49: {  	[tilespmem:s21], [sflag:$0x1] =	stream.indirect_vreg.gather [hbm4b:s5+s3], $0x80, v4, vm0, $0xb8;
	[tilespmem:$0xC080] =	vst v63  }
0x4a: {  	_ = 	snop  }
0x4b: {  	[tilespmem:s22], [sflag:$0x1] =	stream.indirect_vreg.gather [hbm4b:s2+s3], $0x80, v3, vm0, $0xb8;
	[tilespmem:$0xC080] =	vst v63  }
0x4c: {  	_ = 	snop  }
0x4d: {  	[tilespmem:s23], [sflag:$0x1] =	stream.indirect_vreg.gather [hbm4b:s4+s3], $0x80, v3, vm0, $0xb8;
	[tilespmem:$0xC080] =	vst v63  }
0x4e: {  	_ = 	snop  }
0x4f: {  	[tilespmem:s24], [sflag:$0x1] =	stream.indirect_vreg.gather [hbm4b:s5+s3], $0x80, v3, vm0, $0xb8;
	[tilespmem:$0xC080] =	vst v63  }
0x50: {  	v3 =	vld [tilespmem:$0x30];
	_ =	sdelay $0x4  }
0x51: {  	v63 =	vshrl.u32 v3, $0x3  }
0x52: {  	v4 =	vmul.u32 $0x30, v63  }
0x53: {  	v3 =	vand.u32 $0x7, v3  }
0x54: {  	v3 =	vor.u32 v3, v4  }
0x55: {  	v4 =	vperm.xlane v3, v0;
	_ =	sdelay $0x1  }
0x56: {  	v4 =	vadd.s32 v1, v4;
	_ =	sdelay $0x3  }
0x57: {  	v3 =	vperm.xlane v3, v2  }
0x58: {  	[tilespmem:s25], [sflag:$0x1] =	stream.indirect_vreg.gather [hbm4b:s2+s3], $0x80, v4, vm0, $0xb8;
	[tilespmem:$0xC080] =	vst v63  }
0x59: {  	v3 =	vadd.s32 v1, v3  }
0x5a: {  	[tilespmem:s26], [sflag:$0x1] =	stream.indirect_vreg.gather [hbm4b:s4+s3], $0x80, v4, vm0, $0xb8;
	[tilespmem:$0xC080] =	vst v63  }
0x5b: {  	_ = 	snop  }
0x5c: {  	[tilespmem:s28], [sflag:$0x1] =	stream.indirect_vreg.gather [hbm4b:s5+s3], $0x80, v4, vm0, $0xb8;
	[tilespmem:$0xC080] =	vst v63  }
0x5d: {  	_ = 	snop  }
0x5e: {  	[tilespmem:s29], [sflag:$0x1] =	stream.indirect_vreg.gather [hbm4b:s2+s3], $0x80, v3, vm0, $0xb8;
	[tilespmem:$0xC080] =	vst v63  }
0x5f: {  	_ = 	snop  }
0x60: {  	[tilespmem:s30], [sflag:$0x1] =	stream.indirect_vreg.gather [hbm4b:s4+s3], $0x80, v3, vm0, $0xb8;
	[tilespmem:$0xC080] =	vst v63  }
0x61: {  	_ = 	snop  }
0x62: {  	[tilespmem:s31], [sflag:$0x1] =	stream.indirect_vreg.gather [hbm4b:s5+s3], $0x80, v3, vm0, $0xb8;
	[tilespmem:$0xC080] =	vst v63  }
0x63: {  	_ =	swait.ge [sflag:s1], $0xC000  }
0x64: {  	p0 =	sne.s32 s6, $0x1;
	[sflag:s1] =	ssyncset.done $0x0  }
.Ltmp0:
0x65: {  	s0 =	rddreg [dreg:$0x4];
	[sflag:s1] =	ssyncadd.s32 $0xFFFF4000;
	(pc) =	sbr.rel @p0 .LBB2_1-.Ltmp0, $4  }
0x66: {  	[hbm4b:s0+s3] =	stream.linear.scatter [tilespmem:s8], [sflag:$0x2], $0xC000, $0x38;
	[tilespmem:$0xC080] =	vst v63  }
0x67: {  	_ =	swait.ge [sflag:s7], $0xC000  }
0x68: {  	[sflag:s7] =	ssyncset.done $0x0  }
0x69: {  	s6 =	sadd.s32 $0xFFFFFFFF, s6;
	[sflag:s7] =	ssyncadd.s32 $0xFFFF4000  }
0x6a: {  	_ =	sfence.sel $0x180000  }
0x6b: {  	[bflag:$0x0] =	sbarrier.arrive $0xFFFF  }
0x6c: {  	_ =	strace $0x9000004A  }
0x6d: {  	s0 =	stileid.u32;
	[bflag:$0x2] =	sbarrier.arrive $0xFFFF  }
0x6e: {  	p0 =	sne.s32 s0, $0x0;
	s0 =	rddreg [dreg:$0x2]  }
0x6f: {  	s0 =	sadd.s32 @!p0 $0x100000, s0  }
0x70: {  	[sflag:s0] =	ssyncadd.tile.s32 @!p0 $0x1;
	_ =	shalt  }
.Lfunc_end2:
_tile_overlayer_lowered:
.L_overlay_start_2:
0x71: {  	(tag) =	ssettag $0x2  }
0x72: {  	s0 =	rddreg [dreg:$0x0];
	s2 =	stileid.u32  }
0x73: {  	s1 =	rddreg [dreg:$0x1];
	p0 =	sne.s32 s2, $0x0  }
0x74: {  	s3 =	rddreg [dreg:$0x2];
	[bflag:$0x3] =	sbarrier.arrive $0xFFFF;
	s2 =	simm.s32 @!p0 $0x1C02  }
0x75: {  	[timem:s3], [sflag:s2] =	dma.local @!p0 [hbm:s0], s1  }
0x76: {  	s0 =	simm.s32 @!p0 $0x2  }
0x77: {  	_ =	swait.ge @!p0 [sflag:s0], s1  }
0x78: {  	s1 =	ssub.s32 @!p0 $0x0, s1;
	[sflag:s0] =	ssyncset.done @!p0 $0x0  }
0x79: {  	[sflag:s0] =	ssyncadd.s32 @!p0 s1  }
0x7a: {  	[bflag:$0x3] =	sbarrier.arrive $0xFFFF  }
0x7b: {  	_ =	shalt  }

</sc_bundles>
